<compile_context>
chip_gen: v7x
topology: tpu7x:2x2x1
jax: 0.10.2.dev20260603
libtpu: 0.0.44.dev20260713+nightly
codegen_flags: <defaults>
</compile_context>

<pallas_src>
import functools

import jax
import jax.numpy as jnp
from jax import lax
from jax.experimental import pallas as pl
from jax.experimental.pallas import tpu as pltpu
from jax.experimental.pallas import tpu_sc as plsc

N = 10000
F = 128
HOPS = 3
NC, NS = 2, 16
NT = NC * NS
NPAD = 10240
ROWS_PT = NPAD // NS
C = 128
E_REAL = 320000
E_LOOP = E_REAL + N
NCH = 81
EPAD = NT * NCH * C
JCOL = N + 16
BM = 1024

_mesh = plsc.VectorSubcoreMesh(
    core_axis_name="c", subcore_axis_name="s", num_cores=NC, num_subcores=NS)



@functools.partial(
    pl.kernel,
    out_type=jax.ShapeDtypeStruct((NC, NPAD), jnp.float32),
    mesh=_mesh,
    scratch_types=[
        pltpu.VMEM((NCH, C), jnp.int32),
        pltpu.VMEM((C,), jnp.float32),
        pltpu.VMEM_SHARED((NPAD,), jnp.float32),
    ],
)
def _deg_kernel(col_hbm, ones_hbm, zero_hbm, out_hbm, idxc_v, ones_v, acc_s):
    cc = lax.axis_index("c")
    ss = lax.axis_index("s")
    t = ss * NC + cc
    pltpu.sync_copy(col_hbm.at[t], idxc_v)
    pltpu.sync_copy(ones_hbm, ones_v)
    base = ss * ROWS_PT
    pltpu.sync_copy(zero_hbm.at[pl.ds(base, ROWS_PT)], acc_s.at[pl.ds(base, ROWS_PT)])
    plsc.subcore_barrier()

    def body(j, carry):
        pltpu.sync_copy(ones_v, acc_s.at[idxc_v.at[j]], add=True)
        return carry

    lax.fori_loop(0, NCH, body, 0)
    plsc.subcore_barrier()
    pltpu.sync_copy(acc_s.at[pl.ds(base, ROWS_PT)],
                    out_hbm.at[cc, pl.ds(base, ROWS_PT)])



@functools.partial(
    pl.kernel,
    out_type=jax.ShapeDtypeStruct((NC, NPAD, F), jnp.float32),
    mesh=_mesh,
    scratch_types=[
        pltpu.VMEM((NCH, C), jnp.int32),
        pltpu.VMEM((NCH, C), jnp.int32),
        pltpu.VMEM((C, F), jnp.float32),
        pltpu.VMEM_SHARED((NPAD, F), jnp.float32),
        pltpu.SemaphoreType.DMA,
    ],
)
def _hop_kernel(g_hbm, row_hbm, col_hbm, zrow_hbm, out_hbm,
                idxr_v, idxc_v, rows_v, acc_s, sem):
    cc = lax.axis_index("c")
    ss = lax.axis_index("s")
    t = ss * NC + cc
    pltpu.sync_copy(row_hbm.at[t], idxr_v)
    pltpu.sync_copy(col_hbm.at[t], idxc_v)
    base = ss * ROWS_PT
    pltpu.sync_copy(zrow_hbm.at[pl.ds(base, ROWS_PT)], acc_s.at[pl.ds(base, ROWS_PT)])
    plsc.subcore_barrier()

    def body(j, carry):
        pltpu.async_copy(g_hbm.at[idxr_v.at[j]], rows_v, sem).wait()
        pltpu.sync_copy(rows_v, acc_s.at[idxc_v.at[j]], add=True)
        return carry

    lax.fori_loop(0, NCH, body, 0)
    plsc.subcore_barrier()
    pltpu.sync_copy(acc_s.at[pl.ds(base, ROWS_PT)],
                    out_hbm.at[cc, pl.ds(base, ROWS_PT)])



def _dinv_body(d_ref, o1_ref, o2_ref):
    deg = d_ref[:, 0:1] + d_ref[:, 1:2]
    dinv = jnp.where(deg > 0.0, lax.rsqrt(deg), 0.0)
    o1_ref[...] = dinv
    o2_ref[...] = dinv * dinv


def _mm_body(x_ref, wt_ref, b_ref, s_ref, o_ref):
    h = jnp.dot(x_ref[...], wt_ref[...], preferred_element_type=jnp.float32)
    o_ref[...] = s_ref[...] * (h + b_ref[...])


def _scale_body(a_ref, s_ref, o_ref):
    o_ref[...] = s_ref[...] * (a_ref[0] + a_ref[1])


def _dinv_call(deg_t):
    return pl.pallas_call(
        _dinv_body,
        grid=(NPAD // BM,),
        in_specs=[pl.BlockSpec((BM, NC), lambda i: (i, 0))],
        out_specs=[pl.BlockSpec((BM, 1), lambda i: (i, 0)),
                   pl.BlockSpec((BM, 1), lambda i: (i, 0))],
        out_shape=[jax.ShapeDtypeStruct((NPAD, 1), jnp.float32),
                   jax.ShapeDtypeStruct((NPAD, 1), jnp.float32)],
    )(deg_t)


def _mm_call(xpad, wt, b2, sv):
    return pl.pallas_call(
        _mm_body,
        grid=(NPAD // BM,),
        in_specs=[pl.BlockSpec((BM, F), lambda i: (i, 0)),
                  pl.BlockSpec((F, F), lambda i: (0, 0)),
                  pl.BlockSpec((1, F), lambda i: (0, 0)),
                  pl.BlockSpec((BM, 1), lambda i: (i, 0))],
        out_specs=pl.BlockSpec((BM, F), lambda i: (i, 0)),
        out_shape=jax.ShapeDtypeStruct((NPAD, F), jnp.float32),
    )(xpad, wt, b2, sv)


def _scale_call(acc_pair, sv):
    return pl.pallas_call(
        _scale_body,
        grid=(NPAD // BM,),
        in_specs=[pl.BlockSpec((NC, BM, F), lambda i: (0, i, 0)),
                  pl.BlockSpec((BM, 1), lambda i: (i, 0))],
        out_specs=pl.BlockSpec((BM, F), lambda i: (i, 0)),
        out_shape=jax.ShapeDtypeStruct((NPAD, F), jnp.float32),
    )(acc_pair, sv)



def kernel(x, edge_index, W, b):
    ei = edge_index.astype(jnp.int32)
    loop = jnp.arange(N, dtype=jnp.int32)
    pad_e = EPAD - E_LOOP
    row = jnp.concatenate([ei[0], loop, jnp.zeros((pad_e,), jnp.int32)])
    col = jnp.concatenate([ei[1], loop, jnp.full((pad_e,), JCOL, jnp.int32)])
    row3 = row.reshape(NT, NCH, C)
    col3 = col.reshape(NT, NCH, C)

    xpad = jnp.zeros((NPAD, F), jnp.float32).at[:N].set(x)
    wt = W.T
    b2 = b.reshape(1, F)
    ones_c = jnp.ones((C,), jnp.float32)
    zero_n = jnp.zeros((NPAD,), jnp.float32)
    zero_rows = jnp.zeros((NPAD, F), jnp.float32)

    deg_pair = _deg_kernel(col3, ones_c, zero_n)
    dinv, dinv2 = _dinv_call(deg_pair.T)

    g = _mm_call(xpad, wt, b2, dinv)
    for hop in range(HOPS):
        acc_pair = _hop_kernel(g, row3, col3, zero_rows)
        sv = dinv if hop == HOPS - 1 else dinv2
        g = _scale_call(acc_pair, sv)
    return g[:N]

# --- scband reference (transcript-rebuilt; emitter-appended) ---
"""Pipeline reference for scband-sgcmem-62689342652834 (READ-ONLY COPY).

The authoritative reference and input builder live on the scoring server;
editing this copy changes nothing except your own understanding.
"""

import jax, jax.numpy as jnp
import numpy as np

N_NODES = 10000
N_EDGES = 320000
IN_CH = 128
OUT_CH = 128
HOPS = 3


def setup_inputs(seed: int = 0) -> dict:
    key = jax.random.key(seed)
    k1, k2, k3, k4 = jax.random.split(key, 4)
    x = jax.random.normal(k1, (N_NODES, IN_CH), dtype=jnp.float32)
    edge_index = jax.random.randint(k2, (2, N_EDGES), 0, N_NODES, dtype=jnp.int64)
    # nn.Linear params (kaiming-uniform-ish init)
    bound = 1.0 / np.sqrt(IN_CH)
    W = jax.random.uniform(k3, (OUT_CH, IN_CH), dtype=jnp.float32, minval=-bound, maxval=bound)
    b = jax.random.uniform(k4, (OUT_CH,), dtype=jnp.float32, minval=-bound, maxval=bound)
    return {"x": x, "edge_index": edge_index, "W": W, "b": b}


def reference(x, edge_index, W, b):
    n = x.shape[0]
    # lin first (lower-memory variant)
    h = x @ W.T + b
    row = edge_index[0]
    col = edge_index[1]
    # gcn_norm with add_self_loops=True, improved=False (fill_value=1)
    loop = jnp.arange(n, dtype=row.dtype)
    row = jnp.concatenate([row, loop])
    col = jnp.concatenate([col, loop])
    ew = jnp.ones(row.shape[0], dtype=h.dtype)
    deg = jnp.zeros((n,), dtype=h.dtype).at[col].add(ew)
    deg_inv_sqrt = jnp.where(deg > 0, deg ** -0.5, 0.0)
    norm = deg_inv_sqrt[row] * ew * deg_inv_sqrt[col]
    # adj_t = SparseTensor(row=col, col=row, value=norm); matmul(adj_t, h):
    # out[col_e] += norm_e * h[row_e]
    for _ in range(HOPS):
        h = jnp.zeros((n, h.shape[1]), dtype=h.dtype).at[col].add(norm[:, None] * h[row])
    return h

if __name__ == "__main__":
    import jax
    _d = setup_inputs()
    print(jax.jit(kernel)(*tuple(_d.values())))

</pallas_src>

<mosaic_0001>
#map = affine_map<(d0, d1) -> (0, 0)>
#map1 = affine_map<(d0, d1) -> (0, 0, 0)>
module attributes {stable_mosaic.version = 14 : i64} {
  func.func @_hop_kernel(%arg0: i32, %arg1: i32, %arg2: memref<10240x128xf32, #tpu.memory_space<hbm>>, %arg3: memref<32x81x128xi32, #tpu.memory_space<hbm>>, %arg4: memref<32x81x128xi32, #tpu.memory_space<hbm>>, %arg5: memref<10240x128xf32, #tpu.memory_space<hbm>>, %arg6: memref<2x10240x128xf32, #tpu.memory_space<hbm>>, %arg7: memref<81x128xi32, #tpu.memory_space<vmem>>, %arg8: memref<81x128xi32, #tpu.memory_space<vmem>>, %arg9: memref<128x128xf32, #tpu.memory_space<vmem>>, %arg10: memref<10240x128xf32, #tpu.memory_space<vmem_shared>>, %arg11: memref<!tpu.dma_semaphore, #tpu.memory_space<semaphore_mem>>) attributes {dimension_semantics = [#tpu.dimension_semantics<core_parallel>, #tpu.dimension_semantics<subcore_parallel>], iteration_bounds = array<i64: 2, 16>, scalar_prefetch = 0 : i64, scratch_operands = 5 : i64, tpu.core_type = #tpu.core_type<sc_vector_subcore>, window_params = [{transform_indices = #map}, {transform_indices = #map1}, {transform_indices = #map1}, {transform_indices = #map}, {transform_indices = #map1}]} {
    %mul3A = arith.constant 2 : i32
    %mul3A_0 = arith.muli %arg1, %mul3A : i32
    %add3A = arith.addi %mul3A_0, %arg0 : i32
    "tpu.region"() ({
      %run_scoped3A = tpu.sem_alloc : memref<!tpu.dma_semaphore, #tpu.memory_space<semaphore_mem>>
      %dma_start3A = arith.constant 0 : i32
      %dma_start3A_9 = arith.constant 0 : i32
      %dma_start3A_10 = tpu.memref_slice %arg3[%add3A, %dma_start3A, %dma_start3A_9] : memref<32x81x128xi32, #tpu.memory_space<hbm>> -> memref<1x81x128xi32, #tpu.memory_space<hbm>>
      %dma_start3A_11 = tpu.memref_squeeze %dma_start3A_10 : memref<1x81x128xi32, #tpu.memory_space<hbm>> -> memref<81x128xi32, #tpu.memory_space<hbm>>
      %dma_start3A_12 = arith.constant 0 : i32
      %dma_start3A_13 = arith.constant 0 : i32
      %dma_start3A_14 = tpu.memref_slice %arg3[%add3A, %dma_start3A_12, %dma_start3A_13] : memref<32x81x128xi32, #tpu.memory_space<hbm>> -> memref<1x81x128xi32, #tpu.memory_space<hbm>>
      %dma_start3A_15 = tpu.memref_squeeze %dma_start3A_14 : memref<1x81x128xi32, #tpu.memory_space<hbm>> -> memref<81x128xi32, #tpu.memory_space<hbm>>
      tpu.enqueue_dma source(%dma_start3A_15 : memref<81x128xi32, #tpu.memory_space<hbm>>) target(%arg7 : memref<81x128xi32, #tpu.memory_space<vmem>>) target_semaphore(%run_scoped3A : memref<!tpu.dma_semaphore, #tpu.memory_space<semaphore_mem>>)
      %dma_wait3A = arith.constant 0 : i32
      %dma_wait3A_16 = arith.constant 0 : i32
      %dma_wait3A_17 = tpu.memref_slice %arg3[%add3A, %dma_wait3A, %dma_wait3A_16] : memref<32x81x128xi32, #tpu.memory_space<hbm>> -> memref<1x81x128xi32, #tpu.memory_space<hbm>>
      %dma_wait3A_18 = tpu.memref_squeeze %dma_wait3A_17 : memref<1x81x128xi32, #tpu.memory_space<hbm>> -> memref<81x128xi32, #tpu.memory_space<hbm>>
      %dma_wait3A_19 = arith.constant 0 : i32
      %dma_wait3A_20 = arith.constant 0 : i32
      %dma_wait3A_21 = tpu.memref_slice %arg3[%add3A, %dma_wait3A_19, %dma_wait3A_20] : memref<32x81x128xi32, #tpu.memory_space<hbm>> -> memref<1x81x128xi32, #tpu.memory_space<hbm>>
      %dma_wait3A_22 = tpu.memref_squeeze %dma_wait3A_21 : memref<1x81x128xi32, #tpu.memory_space<hbm>> -> memref<81x128xi32, #tpu.memory_space<hbm>>
      tpu.wait_dma2 semaphore(%run_scoped3A : memref<!tpu.dma_semaphore, #tpu.memory_space<semaphore_mem>>) src(%dma_wait3A_22 : memref<81x128xi32, #tpu.memory_space<hbm>>) dst(%arg7 : memref<81x128xi32, #tpu.memory_space<vmem>>)
      tpu.yield
    }) : () -> ()
    "tpu.region"() ({
      %run_scoped3A = tpu.sem_alloc : memref<!tpu.dma_semaphore, #tpu.memory_space<semaphore_mem>>
      %dma_start3A = arith.constant 0 : i32
      %dma_start3A_9 = arith.constant 0 : i32
      %dma_start3A_10 = tpu.memref_slice %arg4[%add3A, %dma_start3A, %dma_start3A_9] : memref<32x81x128xi32, #tpu.memory_space<hbm>> -> memref<1x81x128xi32, #tpu.memory_space<hbm>>
      %dma_start3A_11 = tpu.memref_squeeze %dma_start3A_10 : memref<1x81x128xi32, #tpu.memory_space<hbm>> -> memref<81x128xi32, #tpu.memory_space<hbm>>
      %dma_start3A_12 = arith.constant 0 : i32
      %dma_start3A_13 = arith.constant 0 : i32
      %dma_start3A_14 = tpu.memref_slice %arg4[%add3A, %dma_start3A_12, %dma_start3A_13] : memref<32x81x128xi32, #tpu.memory_space<hbm>> -> memref<1x81x128xi32, #tpu.memory_space<hbm>>
      %dma_start3A_15 = tpu.memref_squeeze %dma_start3A_14 : memref<1x81x128xi32, #tpu.memory_space<hbm>> -> memref<81x128xi32, #tpu.memory_space<hbm>>
      tpu.enqueue_dma source(%dma_start3A_15 : memref<81x128xi32, #tpu.memory_space<hbm>>) target(%arg8 : memref<81x128xi32, #tpu.memory_space<vmem>>) target_semaphore(%run_scoped3A : memref<!tpu.dma_semaphore, #tpu.memory_space<semaphore_mem>>)
      %dma_wait3A = arith.constant 0 : i32
      %dma_wait3A_16 = arith.constant 0 : i32
      %dma_wait3A_17 = tpu.memref_slice %arg4[%add3A, %dma_wait3A, %dma_wait3A_16] : memref<32x81x128xi32, #tpu.memory_space<hbm>> -> memref<1x81x128xi32, #tpu.memory_space<hbm>>
      %dma_wait3A_18 = tpu.memref_squeeze %dma_wait3A_17 : memref<1x81x128xi32, #tpu.memory_space<hbm>> -> memref<81x128xi32, #tpu.memory_space<hbm>>
      %dma_wait3A_19 = arith.constant 0 : i32
      %dma_wait3A_20 = arith.constant 0 : i32
      %dma_wait3A_21 = tpu.memref_slice %arg4[%add3A, %dma_wait3A_19, %dma_wait3A_20] : memref<32x81x128xi32, #tpu.memory_space<hbm>> -> memref<1x81x128xi32, #tpu.memory_space<hbm>>
      %dma_wait3A_22 = tpu.memref_squeeze %dma_wait3A_21 : memref<1x81x128xi32, #tpu.memory_space<hbm>> -> memref<81x128xi32, #tpu.memory_space<hbm>>
      tpu.wait_dma2 semaphore(%run_scoped3A : memref<!tpu.dma_semaphore, #tpu.memory_space<semaphore_mem>>) src(%dma_wait3A_22 : memref<81x128xi32, #tpu.memory_space<hbm>>) dst(%arg8 : memref<81x128xi32, #tpu.memory_space<vmem>>)
      tpu.yield
    }) : () -> ()
    %mul3A_1 = arith.constant 640 : i32
    %mul3A_2 = arith.muli %arg1, %mul3A_1 : i32
    "tpu.region"() ({
      %run_scoped3A = tpu.sem_alloc : memref<!tpu.dma_semaphore, #tpu.memory_space<semaphore_mem>>
      %dma_start3A = arith.constant 0 : i32
      %dma_start3A_9 = tpu.memref_slice %arg10[%mul3A_2, %dma_start3A] : memref<10240x128xf32, #tpu.memory_space<vmem_shared>> -> memref<640x128xf32, #tpu.memory_space<vmem_shared>>
      %dma_start3A_10 = arith.constant 0 : i32
      %dma_start3A_11 = tpu.memref_slice %arg5[%mul3A_2, %dma_start3A_10] : memref<10240x128xf32, #tpu.memory_space<hbm>> -> memref<640x128xf32, #tpu.memory_space<hbm>>
      tpu.enqueue_dma source(%dma_start3A_11 : memref<640x128xf32, #tpu.memory_space<hbm>>) target(%dma_start3A_9 : memref<640x128xf32, #tpu.memory_space<vmem_shared>>) target_semaphore(%run_scoped3A : memref<!tpu.dma_semaphore, #tpu.memory_space<semaphore_mem>>)
      %dma_wait3A = arith.constant 0 : i32
      %dma_wait3A_12 = tpu.memref_slice %arg10[%mul3A_2, %dma_wait3A] : memref<10240x128xf32, #tpu.memory_space<vmem_shared>> -> memref<640x128xf32, #tpu.memory_space<vmem_shared>>
      %dma_wait3A_13 = arith.constant 0 : i32
      %dma_wait3A_14 = tpu.memref_slice %arg5[%mul3A_2, %dma_wait3A_13] : memref<10240x128xf32, #tpu.memory_space<hbm>> -> memref<640x128xf32, #tpu.memory_space<hbm>>
      tpu.wait_dma2 semaphore(%run_scoped3A : memref<!tpu.dma_semaphore, #tpu.memory_space<semaphore_mem>>) src(%dma_wait3A_14 : memref<640x128xf32, #tpu.memory_space<hbm>>) dst(%dma_wait3A_12 : memref<640x128xf32, #tpu.memory_space<vmem_shared>>)
      tpu.yield
    }) : () -> ()
    %barrier3A = arith.constant 0 : index
    tpu.barrier barrier_id(%barrier3A)
    %scan3A = arith.constant 0 : i32
    %scan3A_3 = arith.constant 0 : i32
    %scan3A_4 = arith.constant 81 : i32
    %scan3A_5 = arith.addi %scan3A_3, %scan3A_4 : i32
    %scan3A_6 = arith.constant 1 : i32
    scf.for %scan3A_9 = %scan3A_3 to %scan3A_5 step %scan3A_6  : i32 {
      %dma_start3A = arith.constant 0 : i32
      %dma_start3A_10 = tpu.memref_slice %arg7[%scan3A_9, %dma_start3A] : memref<81x128xi32, #tpu.memory_space<vmem>> -> memref<1x128xi32, #tpu.memory_space<vmem>>
      %dma_start3A_11 = tpu.memref_squeeze %dma_start3A_10 : memref<1x128xi32, #tpu.memory_space<vmem>> -> memref<128xi32, #tpu.memory_space<vmem>>
      %dma_start3A_12 = arith.constant 0 : i32
      %dma_start3A_13 = arith.constant 0 : i32
      %dma_start3A_14 = tpu.memref_slice %arg2[%dma_start3A_12, %dma_start3A_13] : memref<10240x128xf32, #tpu.memory_space<hbm>> -> memref<10240x128xf32, #tpu.memory_space<hbm>>
      tpu.enqueue_indirect_dma source(%dma_start3A_14 : memref<10240x128xf32, #tpu.memory_space<hbm>>) target(%arg9 : memref<128x128xf32, #tpu.memory_space<vmem>>) offsets(%dma_start3A_11 : memref<128xi32, #tpu.memory_space<vmem>>) semaphore(%arg11 : memref<!tpu.dma_semaphore, #tpu.memory_space<semaphore_mem>>)
      %dma_wait3A = arith.constant 0 : i32
      %dma_wait3A_15 = tpu.memref_slice %arg7[%scan3A_9, %dma_wait3A] : memref<81x128xi32, #tpu.memory_space<vmem>> -> memref<1x128xi32, #tpu.memory_space<vmem>>
      %dma_wait3A_16 = tpu.memref_squeeze %dma_wait3A_15 : memref<1x128xi32, #tpu.memory_space<vmem>> -> memref<128xi32, #tpu.memory_space<vmem>>
      %dma_wait3A_17 = arith.constant 0 : i32
      %dma_wait3A_18 = arith.constant 0 : i32
      %dma_wait3A_19 = tpu.memref_slice %arg2[%dma_wait3A_17, %dma_wait3A_18] : memref<10240x128xf32, #tpu.memory_space<hbm>> -> memref<10240x128xf32, #tpu.memory_space<hbm>>
      tpu.wait_indirect_dma semaphore(%arg11 : memref<!tpu.dma_semaphore, #tpu.memory_space<semaphore_mem>>) src(%dma_wait3A_19 : memref<10240x128xf32, #tpu.memory_space<hbm>>) dst(%arg9 : memref<128x128xf32, #tpu.memory_space<vmem>>)
      "tpu.region"() ({
        %run_scoped3A = tpu.sem_alloc : memref<!tpu.dma_semaphore, #tpu.memory_space<semaphore_mem>>
        %dma_start3A_20 = arith.constant 0 : i32
        %dma_start3A_21 = tpu.memref_slice %arg8[%scan3A_9, %dma_start3A_20] : memref<81x128xi32, #tpu.memory_space<vmem>> -> memref<1x128xi32, #tpu.memory_space<vmem>>
        %dma_start3A_22 = tpu.memref_squeeze %dma_start3A_21 : memref<1x128xi32, #tpu.memory_space<vmem>> -> memref<128xi32, #tpu.memory_space<vmem>>
        %dma_start3A_23 = arith.constant 0 : i32
        %dma_start3A_24 = arith.constant 0 : i32
        %dma_start3A_25 = tpu.memref_slice %arg10[%dma_start3A_23, %dma_start3A_24] : memref<10240x128xf32, #tpu.memory_space<vmem_shared>> -> memref<10240x128xf32, #tpu.memory_space<vmem_shared>>
        tpu.enqueue_indirect_dma source(%arg9 : memref<128x128xf32, #tpu.memory_space<vmem>>) target(%dma_start3A_25 : memref<10240x128xf32, #tpu.memory_space<vmem_shared>>) offsets(%dma_start3A_22 : memref<128xi32, #tpu.memory_space<vmem>>) semaphore(%run_scoped3A : memref<!tpu.dma_semaphore, #tpu.memory_space<semaphore_mem>>) {add = true}
        %dma_wait3A_26 = arith.constant 0 : i32
        %dma_wait3A_27 = tpu.memref_slice %arg8[%scan3A_9, %dma_wait3A_26] : memref<81x128xi32, #tpu.memory_space<vmem>> -> memref<1x128xi32, #tpu.memory_space<vmem>>
        %dma_wait3A_28 = tpu.memref_squeeze %dma_wait3A_27 : memref<1x128xi32, #tpu.memory_space<vmem>> -> memref<128xi32, #tpu.memory_space<vmem>>
        %dma_wait3A_29 = arith.constant 0 : i32
        %dma_wait3A_30 = arith.constant 0 : i32
        %dma_wait3A_31 = tpu.memref_slice %arg10[%dma_wait3A_29, %dma_wait3A_30] : memref<10240x128xf32, #tpu.memory_space<vmem_shared>> -> memref<10240x128xf32, #tpu.memory_space<vmem_shared>>
        tpu.wait_indirect_dma semaphore(%run_scoped3A : memref<!tpu.dma_semaphore, #tpu.memory_space<semaphore_mem>>) src(%arg9 : memref<128x128xf32, #tpu.memory_space<vmem>>) dst(%dma_wait3A_31 : memref<10240x128xf32, #tpu.memory_space<vmem_shared>>)
        tpu.yield
      }) : () -> ()
    }
    %scan3A_7 = arith.constant 81 : i32
    %barrier3A_8 = arith.constant 0 : index
    tpu.barrier barrier_id(%barrier3A_8)
    "tpu.region"() ({
      %run_scoped3A = tpu.sem_alloc : memref<!tpu.dma_semaphore, #tpu.memory_space<semaphore_mem>>
      %dma_start3A = arith.constant 0 : i32
      %dma_start3A_9 = tpu.memref_slice %arg6[%arg0, %mul3A_2, %dma_start3A] : memref<2x10240x128xf32, #tpu.memory_space<hbm>> -> memref<1x640x128xf32, #tpu.memory_space<hbm>>
      %dma_start3A_10 = tpu.memref_squeeze %dma_start3A_9 : memref<1x640x128xf32, #tpu.memory_space<hbm>> -> memref<640x128xf32, #tpu.memory_space<hbm>>
      %dma_start3A_11 = arith.constant 0 : i32
      %dma_start3A_12 = tpu.memref_slice %arg10[%mul3A_2, %dma_start3A_11] : memref<10240x128xf32, #tpu.memory_space<vmem_shared>> -> memref<640x128xf32, #tpu.memory_space<vmem_shared>>
      tpu.enqueue_dma source(%dma_start3A_12 : memref<640x128xf32, #tpu.memory_space<vmem_shared>>) target(%dma_start3A_10 : memref<640x128xf32, #tpu.memory_space<hbm>>) target_semaphore(%run_scoped3A : memref<!tpu.dma_semaphore, #tpu.memory_space<semaphore_mem>>)
      %dma_wait3A = arith.constant 0 : i32
      %dma_wait3A_13 = tpu.memref_slice %arg6[%arg0, %mul3A_2, %dma_wait3A] : memref<2x10240x128xf32, #tpu.memory_space<hbm>> -> memref<1x640x128xf32, #tpu.memory_space<hbm>>
      %dma_wait3A_14 = tpu.memref_squeeze %dma_wait3A_13 : memref<1x640x128xf32, #tpu.memory_space<hbm>> -> memref<640x128xf32, #tpu.memory_space<hbm>>
      %dma_wait3A_15 = arith.constant 0 : i32
      %dma_wait3A_16 = tpu.memref_slice %arg10[%mul3A_2, %dma_wait3A_15] : memref<10240x128xf32, #tpu.memory_space<vmem_shared>> -> memref<640x128xf32, #tpu.memory_space<vmem_shared>>
      tpu.wait_dma2 semaphore(%run_scoped3A : memref<!tpu.dma_semaphore, #tpu.memory_space<semaphore_mem>>) src(%dma_wait3A_16 : memref<640x128xf32, #tpu.memory_space<vmem_shared>>) dst(%dma_wait3A_14 : memref<640x128xf32, #tpu.memory_space<hbm>>)
      tpu.yield
    }) : () -> ()
    return
  }
}

#map = affine_map<(d0, d1) -> (0, 0, 0)>
#map1 = affine_map<(d0, d1) -> (0)>
#map2 = affine_map<(d0, d1) -> (0, 0)>
module attributes {stable_mosaic.version = 14 : i64} {
  func.func @_deg_kernel(%arg0: i32, %arg1: i32, %arg2: memref<32x81x128xi32, #tpu.memory_space<hbm>>, %arg3: memref<128xf32, #tpu.memory_space<hbm>>, %arg4: memref<10240xf32, #tpu.memory_space<hbm>>, %arg5: memref<2x10240xf32, #tpu.memory_space<hbm>>, %arg6: memref<81x128xi32, #tpu.memory_space<vmem>>, %arg7: memref<128xf32, #tpu.memory_space<vmem>>, %arg8: memref<10240xf32, #tpu.memory_space<vmem_shared>>) attributes {dimension_semantics = [#tpu.dimension_semantics<core_parallel>, #tpu.dimension_semantics<subcore_parallel>], iteration_bounds = array<i64: 2, 16>, scalar_prefetch = 0 : i64, scratch_operands = 3 : i64, tpu.core_type = #tpu.core_type<sc_vector_subcore>, window_params = [{transform_indices = #map}, {transform_indices = #map1}, {transform_indices = #map1}, {transform_indices = #map2}]} {
    %mul3A = arith.constant 2 : i32
    %mul3A_0 = arith.muli %arg1, %mul3A : i32
    %add3A = arith.addi %mul3A_0, %arg0 : i32
    "tpu.region"() ({
      %run_scoped3A = tpu.sem_alloc : memref<!tpu.dma_semaphore, #tpu.memory_space<semaphore_mem>>
      %dma_start3A = arith.constant 0 : i32
      %dma_start3A_9 = arith.constant 0 : i32
      %dma_start3A_10 = tpu.memref_slice %arg2[%add3A, %dma_start3A, %dma_start3A_9] : memref<32x81x128xi32, #tpu.memory_space<hbm>> -> memref<1x81x128xi32, #tpu.memory_space<hbm>>
      %dma_start3A_11 = tpu.memref_squeeze %dma_start3A_10 : memref<1x81x128xi32, #tpu.memory_space<hbm>> -> memref<81x128xi32, #tpu.memory_space<hbm>>
      %dma_start3A_12 = arith.constant 0 : i32
      %dma_start3A_13 = arith.constant 0 : i32
      %dma_start3A_14 = tpu.memref_slice %arg2[%add3A, %dma_start3A_12, %dma_start3A_13] : memref<32x81x128xi32, #tpu.memory_space<hbm>> -> memref<1x81x128xi32, #tpu.memory_space<hbm>>
      %dma_start3A_15 = tpu.memref_squeeze %dma_start3A_14 : memref<1x81x128xi32, #tpu.memory_space<hbm>> -> memref<81x128xi32, #tpu.memory_space<hbm>>
      tpu.enqueue_dma source(%dma_start3A_15 : memref<81x128xi32, #tpu.memory_space<hbm>>) target(%arg6 : memref<81x128xi32, #tpu.memory_space<vmem>>) target_semaphore(%run_scoped3A : memref<!tpu.dma_semaphore, #tpu.memory_space<semaphore_mem>>)
      %dma_wait3A = arith.constant 0 : i32
      %dma_wait3A_16 = arith.constant 0 : i32
      %dma_wait3A_17 = tpu.memref_slice %arg2[%add3A, %dma_wait3A, %dma_wait3A_16] : memref<32x81x128xi32, #tpu.memory_space<hbm>> -> memref<1x81x128xi32, #tpu.memory_space<hbm>>
      %dma_wait3A_18 = tpu.memref_squeeze %dma_wait3A_17 : memref<1x81x128xi32, #tpu.memory_space<hbm>> -> memref<81x128xi32, #tpu.memory_space<hbm>>
      %dma_wait3A_19 = arith.constant 0 : i32
      %dma_wait3A_20 = arith.constant 0 : i32
      %dma_wait3A_21 = tpu.memref_slice %arg2[%add3A, %dma_wait3A_19, %dma_wait3A_20] : memref<32x81x128xi32, #tpu.memory_space<hbm>> -> memref<1x81x128xi32, #tpu.memory_space<hbm>>
      %dma_wait3A_22 = tpu.memref_squeeze %dma_wait3A_21 : memref<1x81x128xi32, #tpu.memory_space<hbm>> -> memref<81x128xi32, #tpu.memory_space<hbm>>
      tpu.wait_dma2 semaphore(%run_scoped3A : memref<!tpu.dma_semaphore, #tpu.memory_space<semaphore_mem>>) src(%dma_wait3A_22 : memref<81x128xi32, #tpu.memory_space<hbm>>) dst(%arg6 : memref<81x128xi32, #tpu.memory_space<vmem>>)
      tpu.yield
    }) : () -> ()
    "tpu.region"() ({
      %run_scoped3A = tpu.sem_alloc : memref<!tpu.dma_semaphore, #tpu.memory_space<semaphore_mem>>
      tpu.enqueue_dma source(%arg3 : memref<128xf32, #tpu.memory_space<hbm>>) target(%arg7 : memref<128xf32, #tpu.memory_space<vmem>>) target_semaphore(%run_scoped3A : memref<!tpu.dma_semaphore, #tpu.memory_space<semaphore_mem>>)
      tpu.wait_dma2 semaphore(%run_scoped3A : memref<!tpu.dma_semaphore, #tpu.memory_space<semaphore_mem>>) src(%arg3 : memref<128xf32, #tpu.memory_space<hbm>>) dst(%arg7 : memref<128xf32, #tpu.memory_space<vmem>>)
      tpu.yield
    }) : () -> ()
    %mul3A_1 = arith.constant 640 : i32
    %mul3A_2 = arith.muli %arg1, %mul3A_1 : i32
    "tpu.region"() ({
      %run_scoped3A = tpu.sem_alloc : memref<!tpu.dma_semaphore, #tpu.memory_space<semaphore_mem>>
      %dma_start3A = tpu.memref_slice %arg8[%mul3A_2] : memref<10240xf32, #tpu.memory_space<vmem_shared>> -> memref<640xf32, #tpu.memory_space<vmem_shared>>
      %dma_start3A_9 = tpu.memref_slice %arg4[%mul3A_2] : memref<10240xf32, #tpu.memory_space<hbm>> -> memref<640xf32, #tpu.memory_space<hbm>>
      tpu.enqueue_dma source(%dma_start3A_9 : memref<640xf32, #tpu.memory_space<hbm>>) target(%dma_start3A : memref<640xf32, #tpu.memory_space<vmem_shared>>) target_semaphore(%run_scoped3A : memref<!tpu.dma_semaphore, #tpu.memory_space<semaphore_mem>>)
      %dma_wait3A = tpu.memref_slice %arg8[%mul3A_2] : memref<10240xf32, #tpu.memory_space<vmem_shared>> -> memref<640xf32, #tpu.memory_space<vmem_shared>>
      %dma_wait3A_10 = tpu.memref_slice %arg4[%mul3A_2] : memref<10240xf32, #tpu.memory_space<hbm>> -> memref<640xf32, #tpu.memory_space<hbm>>
      tpu.wait_dma2 semaphore(%run_scoped3A : memref<!tpu.dma_semaphore, #tpu.memory_space<semaphore_mem>>) src(%dma_wait3A_10 : memref<640xf32, #tpu.memory_space<hbm>>) dst(%dma_wait3A : memref<640xf32, #tpu.memory_space<vmem_shared>>)
      tpu.yield
    }) : () -> ()
    %barrier3A = arith.constant 0 : index
    tpu.barrier barrier_id(%barrier3A)
    %scan3A = arith.constant 0 : i32
    %scan3A_3 = arith.constant 0 : i32
    %scan3A_4 = arith.constant 81 : i32
    %scan3A_5 = arith.addi %scan3A_3, %scan3A_4 : i32
    %scan3A_6 = arith.constant 1 : i32
    scf.for %scan3A_9 = %scan3A_3 to %scan3A_5 step %scan3A_6  : i32 {
      "tpu.region"() ({
        %run_scoped3A = tpu.sem_alloc : memref<!tpu.dma_semaphore, #tpu.memory_space<semaphore_mem>>
        %dma_start3A = arith.constant 0 : i32
        %dma_start3A_10 = tpu.memref_slice %arg6[%scan3A_9, %dma_start3A] : memref<81x128xi32, #tpu.memory_space<vmem>> -> memref<1x128xi32, #tpu.memory_space<vmem>>
        %dma_start3A_11 = tpu.memref_squeeze %dma_start3A_10 : memref<1x128xi32, #tpu.memory_space<vmem>> -> memref<128xi32, #tpu.memory_space<vmem>>
        %dma_start3A_12 = arith.constant 0 : i32
        %dma_start3A_13 = tpu.memref_slice %arg8[%dma_start3A_12] : memref<10240xf32, #tpu.memory_space<vmem_shared>> -> memref<10240xf32, #tpu.memory_space<vmem_shared>>
        tpu.enqueue_indirect_dma source(%arg7 : memref<128xf32, #tpu.memory_space<vmem>>) target(%dma_start3A_13 : memref<10240xf32, #tpu.memory_space<vmem_shared>>) offsets(%dma_start3A_11 : memref<128xi32, #tpu.memory_space<vmem>>) semaphore(%run_scoped3A : memref<!tpu.dma_semaphore, #tpu.memory_space<semaphore_mem>>) {add = true}
        %dma_wait3A = arith.constant 0 : i32
        %dma_wait3A_14 = tpu.memref_slice %arg6[%scan3A_9, %dma_wait3A] : memref<81x128xi32, #tpu.memory_space<vmem>> -> memref<1x128xi32, #tpu.memory_space<vmem>>
        %dma_wait3A_15 = tpu.memref_squeeze %dma_wait3A_14 : memref<1x128xi32, #tpu.memory_space<vmem>> -> memref<128xi32, #tpu.memory_space<vmem>>
        %dma_wait3A_16 = arith.constant 0 : i32
        %dma_wait3A_17 = tpu.memref_slice %arg8[%dma_wait3A_16] : memref<10240xf32, #tpu.memory_space<vmem_shared>> -> memref<10240xf32, #tpu.memory_space<vmem_shared>>
        tpu.wait_indirect_dma semaphore(%run_scoped3A : memref<!tpu.dma_semaphore, #tpu.memory_space<semaphore_mem>>) src(%arg7 : memref<128xf32, #tpu.memory_space<vmem>>) dst(%dma_wait3A_17 : memref<10240xf32, #tpu.memory_space<vmem_shared>>)
        tpu.yield
      }) : () -> ()
    }
    %scan3A_7 = arith.constant 81 : i32
    %barrier3A_8 = arith.constant 0 : index
    tpu.barrier barrier_id(%barrier3A_8)
    "tpu.region"() ({
      %run_scoped3A = tpu.sem_alloc : memref<!tpu.dma_semaphore, #tpu.memory_space<semaphore_mem>>
      %dma_start3A = tpu.memref_slice %arg5[%arg0, %mul3A_2] : memref<2x10240xf32, #tpu.memory_space<hbm>> -> memref<1x640xf32, #tpu.memory_space<hbm>>
      %dma_start3A_9 = tpu.memref_squeeze %dma_start3A : memref<1x640xf32, #tpu.memory_space<hbm>> -> memref<640xf32, #tpu.memory_space<hbm>>
      %dma_start3A_10 = tpu.memref_slice %arg8[%mul3A_2] : memref<10240xf32, #tpu.memory_space<vmem_shared>> -> memref<640xf32, #tpu.memory_space<vmem_shared>>
      tpu.enqueue_dma source(%dma_start3A_10 : memref<640xf32, #tpu.memory_space<vmem_shared>>) target(%dma_start3A_9 : memref<640xf32, #tpu.memory_space<hbm>>) target_semaphore(%run_scoped3A : memref<!tpu.dma_semaphore, #tpu.memory_space<semaphore_mem>>)
      %dma_wait3A = tpu.memref_slice %arg5[%arg0, %mul3A_2] : memref<2x10240xf32, #tpu.memory_space<hbm>> -> memref<1x640xf32, #tpu.memory_space<hbm>>
      %dma_wait3A_11 = tpu.memref_squeeze %dma_wait3A : memref<1x640xf32, #tpu.memory_space<hbm>> -> memref<640xf32, #tpu.memory_space<hbm>>
      %dma_wait3A_12 = tpu.memref_slice %arg8[%mul3A_2] : memref<10240xf32, #tpu.memory_space<vmem_shared>> -> memref<640xf32, #tpu.memory_space<vmem_shared>>
      tpu.wait_dma2 semaphore(%run_scoped3A : memref<!tpu.dma_semaphore, #tpu.memory_space<semaphore_mem>>) src(%dma_wait3A_12 : memref<640xf32, #tpu.memory_space<vmem_shared>>) dst(%dma_wait3A_11 : memref<640xf32, #tpu.memory_space<hbm>>)
      tpu.yield
    }) : () -> ()
    return
  }
}

#map = affine_map<(d0, d1) -> (0, 0)>
#map1 = affine_map<(d0, d1) -> (0, 0, 0)>
module attributes {stable_mosaic.version = 14 : i64} {
  func.func @_hop_kernel(%arg0: i32, %arg1: i32, %arg2: memref<10240x128xf32, #tpu.memory_space<hbm>>, %arg3: memref<32x81x128xi32, #tpu.memory_space<hbm>>, %arg4: memref<32x81x128xi32, #tpu.memory_space<hbm>>, %arg5: memref<10240x128xf32, #tpu.memory_space<hbm>>, %arg6: memref<2x10240x128xf32, #tpu.memory_space<hbm>>, %arg7: memref<81x128xi32, #tpu.memory_space<vmem>>, %arg8: memref<81x128xi32, #tpu.memory_space<vmem>>, %arg9: memref<128x128xf32, #tpu.memory_space<vmem>>, %arg10: memref<10240x128xf32, #tpu.memory_space<vmem_shared>>, %arg11: memref<!tpu.dma_semaphore, #tpu.memory_space<semaphore_mem>>) attributes {dimension_semantics = [#tpu.dimension_semantics<core_parallel>, #tpu.dimension_semantics<subcore_parallel>], iteration_bounds = array<i64: 2, 16>, scalar_prefetch = 0 : i64, scratch_operands = 5 : i64, tpu.core_type = #tpu.core_type<sc_vector_subcore>, window_params = [{transform_indices = #map}, {transform_indices = #map1}, {transform_indices = #map1}, {transform_indices = #map}, {transform_indices = #map1}]} {
    %mul3A = arith.constant 2 : i32
    %mul3A_0 = arith.muli %arg1, %mul3A : i32
    %add3A = arith.addi %mul3A_0, %arg0 : i32
    "tpu.region"() ({
      %run_scoped3A = tpu.sem_alloc : memref<!tpu.dma_semaphore, #tpu.memory_space<semaphore_mem>>
      %dma_start3A = arith.constant 0 : i32
      %dma_start3A_9 = arith.constant 0 : i32
      %dma_start3A_10 = tpu.memref_slice %arg3[%add3A, %dma_start3A, %dma_start3A_9] : memref<32x81x128xi32, #tpu.memory_space<hbm>> -> memref<1x81x128xi32, #tpu.memory_space<hbm>>
      %dma_start3A_11 = tpu.memref_squeeze %dma_start3A_10 : memref<1x81x128xi32, #tpu.memory_space<hbm>> -> memref<81x128xi32, #tpu.memory_space<hbm>>
      %dma_start3A_12 = arith.constant 0 : i32
      %dma_start3A_13 = arith.constant 0 : i32
      %dma_start3A_14 = tpu.memref_slice %arg3[%add3A, %dma_start3A_12, %dma_start3A_13] : memref<32x81x128xi32, #tpu.memory_space<hbm>> -> memref<1x81x128xi32, #tpu.memory_space<hbm>>
      %dma_start3A_15 = tpu.memref_squeeze %dma_start3A_14 : memref<1x81x128xi32, #tpu.memory_space<hbm>> -> memref<81x128xi32, #tpu.memory_space<hbm>>
      tpu.enqueue_dma source(%dma_start3A_15 : memref<81x128xi32, #tpu.memory_space<hbm>>) target(%arg7 : memref<81x128xi32, #tpu.memory_space<vmem>>) target_semaphore(%run_scoped3A : memref<!tpu.dma_semaphore, #tpu.memory_space<semaphore_mem>>)
      %dma_wait3A = arith.constant 0 : i32
      %dma_wait3A_16 = arith.constant 0 : i32
      %dma_wait3A_17 = tpu.memref_slice %arg3[%add3A, %dma_wait3A, %dma_wait3A_16] : memref<32x81x128xi32, #tpu.memory_space<hbm>> -> memref<1x81x128xi32, #tpu.memory_space<hbm>>
      %dma_wait3A_18 = tpu.memref_squeeze %dma_wait3A_17 : memref<1x81x128xi32, #tpu.memory_space<hbm>> -> memref<81x128xi32, #tpu.memory_space<hbm>>
      %dma_wait3A_19 = arith.constant 0 : i32
      %dma_wait3A_20 = arith.constant 0 : i32
      %dma_wait3A_21 = tpu.memref_slice %arg3[%add3A, %dma_wait3A_19, %dma_wait3A_20] : memref<32x81x128xi32, #tpu.memory_space<hbm>> -> memref<1x81x128xi32, #tpu.memory_space<hbm>>
      %dma_wait3A_22 = tpu.memref_squeeze %dma_wait3A_21 : memref<1x81x128xi32, #tpu.memory_space<hbm>> -> memref<81x128xi32, #tpu.memory_space<hbm>>
      tpu.wait_dma2 semaphore(%run_scoped3A : memref<!tpu.dma_semaphore, #tpu.memory_space<semaphore_mem>>) src(%dma_wait3A_22 : memref<81x128xi32, #tpu.memory_space<hbm>>) dst(%arg7 : memref<81x128xi32, #tpu.memory_space<vmem>>)
      tpu.yield
    }) : () -> ()
    "tpu.region"() ({
      %run_scoped3A = tpu.sem_alloc : memref<!tpu.dma_semaphore, #tpu.memory_space<semaphore_mem>>
      %dma_start3A = arith.constant 0 : i32
      %dma_start3A_9 = arith.constant 0 : i32
      %dma_start3A_10 = tpu.memref_slice %arg4[%add3A, %dma_start3A, %dma_start3A_9] : memref<32x81x128xi32, #tpu.memory_space<hbm>> -> memref<1x81x128xi32, #tpu.memory_space<hbm>>
      %dma_start3A_11 = tpu.memref_squeeze %dma_start3A_10 : memref<1x81x128xi32, #tpu.memory_space<hbm>> -> memref<81x128xi32, #tpu.memory_space<hbm>>
      %dma_start3A_12 = arith.constant 0 : i32
      %dma_start3A_13 = arith.constant 0 : i32
      %dma_start3A_14 = tpu.memref_slice %arg4[%add3A, %dma_start3A_12, %dma_start3A_13] : memref<32x81x128xi32, #tpu.memory_space<hbm>> -> memref<1x81x128xi32, #tpu.memory_space<hbm>>
      %dma_start3A_15 = tpu.memref_squeeze %dma_start3A_14 : memref<1x81x128xi32, #tpu.memory_space<hbm>> -> memref<81x128xi32, #tpu.memory_space<hbm>>
      tpu.enqueue_dma source(%dma_start3A_15 : memref<81x128xi32, #tpu.memory_space<hbm>>) target(%arg8 : memref<81x128xi32, #tpu.memory_space<vmem>>) target_semaphore(%run_scoped3A : memref<!tpu.dma_semaphore, #tpu.memory_space<semaphore_mem>>)
      %dma_wait3A = arith.constant 0 : i32
      %dma_wait3A_16 = arith.constant 0 : i32
      %dma_wait3A_17 = tpu.memref_slice %arg4[%add3A, %dma_wait3A, %dma_wait3A_16] : memref<32x81x128xi32, #tpu.memory_space<hbm>> -> memref<1x81x128xi32, #tpu.memory_space<hbm>>
      %dma_wait3A_18 = tpu.memref_squeeze %dma_wait3A_17 : memref<1x81x128xi32, #tpu.memory_space<hbm>> -> memref<81x128xi32, #tpu.memory_space<hbm>>
      %dma_wait3A_19 = arith.constant 0 : i32
      %dma_wait3A_20 = arith.constant 0 : i32
      %dma_wait3A_21 = tpu.memref_slice %arg4[%add3A, %dma_wait3A_19, %dma_wait3A_20] : memref<32x81x128xi32, #tpu.memory_space<hbm>> -> memref<1x81x128xi32, #tpu.memory_space<hbm>>
      %dma_wait3A_22 = tpu.memref_squeeze %dma_wait3A_21 : memref<1x81x128xi32, #tpu.memory_space<hbm>> -> memref<81x128xi32, #tpu.memory_space<hbm>>
      tpu.wait_dma2 semaphore(%run_scoped3A : memref<!tpu.dma_semaphore, #tpu.memory_space<semaphore_mem>>) src(%dma_wait3A_22 : memref<81x128xi32, #tpu.memory_space<hbm>>) dst(%arg8 : memref<81x128xi32, #tpu.memory_space<vmem>>)
      tpu.yield
    }) : () -> ()
    %mul3A_1 = arith.constant 640 : i32
    %mul3A_2 = arith.muli %arg1, %mul3A_1 : i32
    "tpu.region"() ({
      %run_scoped3A = tpu.sem_alloc : memref<!tpu.dma_semaphore, #tpu.memory_space<semaphore_mem>>
      %dma_start3A = arith.constant 0 : i32
      %dma_start3A_9 = tpu.memref_slice %arg10[%mul3A_2, %dma_start3A] : memref<10240x128xf32, #tpu.memory_space<vmem_shared>> -> memref<640x128xf32, #tpu.memory_space<vmem_shared>>
      %dma_start3A_10 = arith.constant 0 : i32
      %dma_start3A_11 = tpu.memref_slice %arg5[%mul3A_2, %dma_start3A_10] : memref<10240x128xf32, #tpu.memory_space<hbm>> -> memref<640x128xf32, #tpu.memory_space<hbm>>
      tpu.enqueue_dma source(%dma_start3A_11 : memref<640x128xf32, #tpu.memory_space<hbm>>) target(%dma_start3A_9 : memref<640x128xf32, #tpu.memory_space<vmem_shared>>) target_semaphore(%run_scoped3A : memref<!tpu.dma_semaphore, #tpu.memory_space<semaphore_mem>>)
      %dma_wait3A = arith.constant 0 : i32
      %dma_wait3A_12 = tpu.memref_slice %arg10[%mul3A_2, %dma_wait3A] : memref<10240x128xf32, #tpu.memory_space<vmem_shared>> -> memref<640x128xf32, #tpu.memory_space<vmem_shared>>
      %dma_wait3A_13 = arith.constant 0 : i32
      %dma_wait3A_14 = tpu.memref_slice %arg5[%mul3A_2, %dma_wait3A_13] : memref<10240x128xf32, #tpu.memory_space<hbm>> -> memref<640x128xf32, #tpu.memory_space<hbm>>
      tpu.wait_dma2 semaphore(%run_scoped3A : memref<!tpu.dma_semaphore, #tpu.memory_space<semaphore_mem>>) src(%dma_wait3A_14 : memref<640x128xf32, #tpu.memory_space<hbm>>) dst(%dma_wait3A_12 : memref<640x128xf32, #tpu.memory_space<vmem_shared>>)
      tpu.yield
    }) : () -> ()
    %barrier3A = arith.constant 0 : index
    tpu.barrier barrier_id(%barrier3A)
    %scan3A = arith.constant 0 : i32
    %scan3A_3 = arith.constant 0 : i32
    %scan3A_4 = arith.constant 81 : i32
    %scan3A_5 = arith.addi %scan3A_3, %scan3A_4 : i32
    %scan3A_6 = arith.constant 1 : i32
    scf.for %scan3A_9 = %scan3A_3 to %scan3A_5 step %scan3A_6  : i32 {
      %dma_start3A = arith.constant 0 : i32
      %dma_start3A_10 = tpu.memref_slice %arg7[%scan3A_9, %dma_start3A] : memref<81x128xi32, #tpu.memory_space<vmem>> -> memref<1x128xi32, #tpu.memory_space<vmem>>
      %dma_start3A_11 = tpu.memref_squeeze %dma_start3A_10 : memref<1x128xi32, #tpu.memory_space<vmem>> -> memref<128xi32, #tpu.memory_space<vmem>>
      %dma_start3A_12 = arith.constant 0 : i32
      %dma_start3A_13 = arith.constant 0 : i32
      %dma_start3A_14 = tpu.memref_slice %arg2[%dma_start3A_12, %dma_start3A_13] : memref<10240x128xf32, #tpu.memory_space<hbm>> -> memref<10240x128xf32, #tpu.memory_space<hbm>>
      tpu.enqueue_indirect_dma source(%dma_start3A_14 : memref<10240x128xf32, #tpu.memory_space<hbm>>) target(%arg9 : memref<128x128xf32, #tpu.memory_space<vmem>>) offsets(%dma_start3A_11 : memref<128xi32, #tpu.memory_space<vmem>>) semaphore(%arg11 : memref<!tpu.dma_semaphore, #tpu.memory_space<semaphore_mem>>)
      %dma_wait3A = arith.constant 0 : i32
      %dma_wait3A_15 = tpu.memref_slice %arg7[%scan3A_9, %dma_wait3A] : memref<81x128xi32, #tpu.memory_space<vmem>> -> memref<1x128xi32, #tpu.memory_space<vmem>>
      %dma_wait3A_16 = tpu.memref_squeeze %dma_wait3A_15 : memref<1x128xi32, #tpu.memory_space<vmem>> -> memref<128xi32, #tpu.memory_space<vmem>>
      %dma_wait3A_17 = arith.constant 0 : i32
      %dma_wait3A_18 = arith.constant 0 : i32
      %dma_wait3A_19 = tpu.memref_slice %arg2[%dma_wait3A_17, %dma_wait3A_18] : memref<10240x128xf32, #tpu.memory_space<hbm>> -> memref<10240x128xf32, #tpu.memory_space<hbm>>
      tpu.wait_indirect_dma semaphore(%arg11 : memref<!tpu.dma_semaphore, #tpu.memory_space<semaphore_mem>>) src(%dma_wait3A_19 : memref<10240x128xf32, #tpu.memory_space<hbm>>) dst(%arg9 : memref<128x128xf32, #tpu.memory_space<vmem>>)
      "tpu.region"() ({
        %run_scoped3A = tpu.sem_alloc : memref<!tpu.dma_semaphore, #tpu.memory_space<semaphore_mem>>
        %dma_start3A_20 = arith.constant 0 : i32
        %dma_start3A_21 = tpu.memref_slice %arg8[%scan3A_9, %dma_start3A_20] : memref<81x128xi32, #tpu.memory_space<vmem>> -> memref<1x128xi32, #tpu.memory_space<vmem>>
        %dma_start3A_22 = tpu.memref_squeeze %dma_start3A_21 : memref<1x128xi32, #tpu.memory_space<vmem>> -> memref<128xi32, #tpu.memory_space<vmem>>
        %dma_start3A_23 = arith.constant 0 : i32
        %dma_start3A_24 = arith.constant 0 : i32
        %dma_start3A_25 = tpu.memref_slice %arg10[%dma_start3A_23, %dma_start3A_24] : memref<10240x128xf32, #tpu.memory_space<vmem_shared>> -> memref<10240x128xf32, #tpu.memory_space<vmem_shared>>
        tpu.enqueue_indirect_dma source(%arg9 : memref<128x128xf32, #tpu.memory_space<vmem>>) target(%dma_start3A_25 : memref<10240x128xf32, #tpu.memory_space<vmem_shared>>) offsets(%dma_start3A_22 : memref<128xi32, #tpu.memory_space<vmem>>) semaphore(%run_scoped3A : memref<!tpu.dma_semaphore, #tpu.memory_space<semaphore_mem>>) {add = true}
        %dma_wait3A_26 = arith.constant 0 : i32
        %dma_wait3A_27 = tpu.memref_slice %arg8[%scan3A_9, %dma_wait3A_26] : memref<81x128xi32, #tpu.memory_space<vmem>> -> memref<1x128xi32, #tpu.memory_space<vmem>>
        %dma_wait3A_28 = tpu.memref_squeeze %dma_wait3A_27 : memref<1x128xi32, #tpu.memory_space<vmem>> -> memref<128xi32, #tpu.memory_space<vmem>>
        %dma_wait3A_29 = arith.constant 0 : i32
        %dma_wait3A_30 = arith.constant 0 : i32
        %dma_wait3A_31 = tpu.memref_slice %arg10[%dma_wait3A_29, %dma_wait3A_30] : memref<10240x128xf32, #tpu.memory_space<vmem_shared>> -> memref<10240x128xf32, #tpu.memory_space<vmem_shared>>
        tpu.wait_indirect_dma semaphore(%run_scoped3A : memref<!tpu.dma_semaphore, #tpu.memory_space<semaphore_mem>>) src(%arg9 : memref<128x128xf32, #tpu.memory_space<vmem>>) dst(%dma_wait3A_31 : memref<10240x128xf32, #tpu.memory_space<vmem_shared>>)
        tpu.yield
      }) : () -> ()
    }
    %scan3A_7 = arith.constant 81 : i32
    %barrier3A_8 = arith.constant 0 : index
    tpu.barrier barrier_id(%barrier3A_8)
    "tpu.region"() ({
      %run_scoped3A = tpu.sem_alloc : memref<!tpu.dma_semaphore, #tpu.memory_space<semaphore_mem>>
      %dma_start3A = arith.constant 0 : i32
      %dma_start3A_9 = tpu.memref_slice %arg6[%arg0, %mul3A_2, %dma_start3A] : memref<2x10240x128xf32, #tpu.memory_space<hbm>> -> memref<1x640x128xf32, #tpu.memory_space<hbm>>
      %dma_start3A_10 = tpu.memref_squeeze %dma_start3A_9 : memref<1x640x128xf32, #tpu.memory_space<hbm>> -> memref<640x128xf32, #tpu.memory_space<hbm>>
      %dma_start3A_11 = arith.constant 0 : i32
      %dma_start3A_12 = tpu.memref_slice %arg10[%mul3A_2, %dma_start3A_11] : memref<10240x128xf32, #tpu.memory_space<vmem_shared>> -> memref<640x128xf32, #tpu.memory_space<vmem_shared>>
      tpu.enqueue_dma source(%dma_start3A_12 : memref<640x128xf32, #tpu.memory_space<vmem_shared>>) target(%dma_start3A_10 : memref<640x128xf32, #tpu.memory_space<hbm>>) target_semaphore(%run_scoped3A : memref<!tpu.dma_semaphore, #tpu.memory_space<semaphore_mem>>)
      %dma_wait3A = arith.constant 0 : i32
      %dma_wait3A_13 = tpu.memref_slice %arg6[%arg0, %mul3A_2, %dma_wait3A] : memref<2x10240x128xf32, #tpu.memory_space<hbm>> -> memref<1x640x128xf32, #tpu.memory_space<hbm>>
      %dma_wait3A_14 = tpu.memref_squeeze %dma_wait3A_13 : memref<1x640x128xf32, #tpu.memory_space<hbm>> -> memref<640x128xf32, #tpu.memory_space<hbm>>
      %dma_wait3A_15 = arith.constant 0 : i32
      %dma_wait3A_16 = tpu.memref_slice %arg10[%mul3A_2, %dma_wait3A_15] : memref<10240x128xf32, #tpu.memory_space<vmem_shared>> -> memref<640x128xf32, #tpu.memory_space<vmem_shared>>
      tpu.wait_dma2 semaphore(%run_scoped3A : memref<!tpu.dma_semaphore, #tpu.memory_space<semaphore_mem>>) src(%dma_wait3A_16 : memref<640x128xf32, #tpu.memory_space<vmem_shared>>) dst(%dma_wait3A_14 : memref<640x128xf32, #tpu.memory_space<hbm>>)
      tpu.yield
    }) : () -> ()
    return
  }
}

#map = affine_map<(d0, d1) -> (0, 0)>
#map1 = affine_map<(d0, d1) -> (0, 0, 0)>
module attributes {stable_mosaic.version = 14 : i64} {
  func.func @_hop_kernel(%arg0: i32, %arg1: i32, %arg2: memref<10240x128xf32, #tpu.memory_space<hbm>>, %arg3: memref<32x81x128xi32, #tpu.memory_space<hbm>>, %arg4: memref<32x81x128xi32, #tpu.memory_space<hbm>>, %arg5: memref<10240x128xf32, #tpu.memory_space<hbm>>, %arg6: memref<2x10240x128xf32, #tpu.memory_space<hbm>>, %arg7: memref<81x128xi32, #tpu.memory_space<vmem>>, %arg8: memref<81x128xi32, #tpu.memory_space<vmem>>, %arg9: memref<128x128xf32, #tpu.memory_space<vmem>>, %arg10: memref<10240x128xf32, #tpu.memory_space<vmem_shared>>, %arg11: memref<!tpu.dma_semaphore, #tpu.memory_space<semaphore_mem>>) attributes {dimension_semantics = [#tpu.dimension_semantics<core_parallel>, #tpu.dimension_semantics<subcore_parallel>], iteration_bounds = array<i64: 2, 16>, scalar_prefetch = 0 : i64, scratch_operands = 5 : i64, tpu.core_type = #tpu.core_type<sc_vector_subcore>, window_params = [{transform_indices = #map}, {transform_indices = #map1}, {transform_indices = #map1}, {transform_indices = #map}, {transform_indices = #map1}]} {
    %mul3A = arith.constant 2 : i32
    %mul3A_0 = arith.muli %arg1, %mul3A : i32
    %add3A = arith.addi %mul3A_0, %arg0 : i32
    "tpu.region"() ({
      %run_scoped3A = tpu.sem_alloc : memref<!tpu.dma_semaphore, #tpu.memory_space<semaphore_mem>>
      %dma_start3A = arith.constant 0 : i32
      %dma_start3A_9 = arith.constant 0 : i32
      %dma_start3A_10 = tpu.memref_slice %arg3[%add3A, %dma_start3A, %dma_start3A_9] : memref<32x81x128xi32, #tpu.memory_space<hbm>> -> memref<1x81x128xi32, #tpu.memory_space<hbm>>
      %dma_start3A_11 = tpu.memref_squeeze %dma_start3A_10 : memref<1x81x128xi32, #tpu.memory_space<hbm>> -> memref<81x128xi32, #tpu.memory_space<hbm>>
      %dma_start3A_12 = arith.constant 0 : i32
      %dma_start3A_13 = arith.constant 0 : i32
      %dma_start3A_14 = tpu.memref_slice %arg3[%add3A, %dma_start3A_12, %dma_start3A_13] : memref<32x81x128xi32, #tpu.memory_space<hbm>> -> memref<1x81x128xi32, #tpu.memory_space<hbm>>
      %dma_start3A_15 = tpu.memref_squeeze %dma_start3A_14 : memref<1x81x128xi32, #tpu.memory_space<hbm>> -> memref<81x128xi32, #tpu.memory_space<hbm>>
      tpu.enqueue_dma source(%dma_start3A_15 : memref<81x128xi32, #tpu.memory_space<hbm>>) target(%arg7 : memref<81x128xi32, #tpu.memory_space<vmem>>) target_semaphore(%run_scoped3A : memref<!tpu.dma_semaphore, #tpu.memory_space<semaphore_mem>>)
      %dma_wait3A = arith.constant 0 : i32
      %dma_wait3A_16 = arith.constant 0 : i32
      %dma_wait3A_17 = tpu.memref_slice %arg3[%add3A, %dma_wait3A, %dma_wait3A_16] : memref<32x81x128xi32, #tpu.memory_space<hbm>> -> memref<1x81x128xi32, #tpu.memory_space<hbm>>
      %dma_wait3A_18 = tpu.memref_squeeze %dma_wait3A_17 : memref<1x81x128xi32, #tpu.memory_space<hbm>> -> memref<81x128xi32, #tpu.memory_space<hbm>>
      %dma_wait3A_19 = arith.constant 0 : i32
      %dma_wait3A_20 = arith.constant 0 : i32
      %dma_wait3A_21 = tpu.memref_slice %arg3[%add3A, %dma_wait3A_19, %dma_wait3A_20] : memref<32x81x128xi32, #tpu.memory_space<hbm>> -> memref<1x81x128xi32, #tpu.memory_space<hbm>>
      %dma_wait3A_22 = tpu.memref_squeeze %dma_wait3A_21 : memref<1x81x128xi32, #tpu.memory_space<hbm>> -> memref<81x128xi32, #tpu.memory_space<hbm>>
      tpu.wait_dma2 semaphore(%run_scoped3A : memref<!tpu.dma_semaphore, #tpu.memory_space<semaphore_mem>>) src(%dma_wait3A_22 : memref<81x128xi32, #tpu.memory_space<hbm>>) dst(%arg7 : memref<81x128xi32, #tpu.memory_space<vmem>>)
      tpu.yield
    }) : () -> ()
    "tpu.region"() ({
      %run_scoped3A = tpu.sem_alloc : memref<!tpu.dma_semaphore, #tpu.memory_space<semaphore_mem>>
      %dma_start3A = arith.constant 0 : i32
      %dma_start3A_9 = arith.constant 0 : i32
      %dma_start3A_10 = tpu.memref_slice %arg4[%add3A, %dma_start3A, %dma_start3A_9] : memref<32x81x128xi32, #tpu.memory_space<hbm>> -> memref<1x81x128xi32, #tpu.memory_space<hbm>>
      %dma_start3A_11 = tpu.memref_squeeze %dma_start3A_10 : memref<1x81x128xi32, #tpu.memory_space<hbm>> -> memref<81x128xi32, #tpu.memory_space<hbm>>
      %dma_start3A_12 = arith.constant 0 : i32
      %dma_start3A_13 = arith.constant 0 : i32
      %dma_start3A_14 = tpu.memref_slice %arg4[%add3A, %dma_start3A_12, %dma_start3A_13] : memref<32x81x128xi32, #tpu.memory_space<hbm>> -> memref<1x81x128xi32, #tpu.memory_space<hbm>>
      %dma_start3A_15 = tpu.memref_squeeze %dma_start3A_14 : memref<1x81x128xi32, #tpu.memory_space<hbm>> -> memref<81x128xi32, #tpu.memory_space<hbm>>
      tpu.enqueue_dma source(%dma_start3A_15 : memref<81x128xi32, #tpu.memory_space<hbm>>) target(%arg8 : memref<81x128xi32, #tpu.memory_space<vmem>>) target_semaphore(%run_scoped3A : memref<!tpu.dma_semaphore, #tpu.memory_space<semaphore_mem>>)
      %dma_wait3A = arith.constant 0 : i32
      %dma_wait3A_16 = arith.constant 0 : i32
      %dma_wait3A_17 = tpu.memref_slice %arg4[%add3A, %dma_wait3A, %dma_wait3A_16] : memref<32x81x128xi32, #tpu.memory_space<hbm>> -> memref<1x81x128xi32, #tpu.memory_space<hbm>>
      %dma_wait3A_18 = tpu.memref_squeeze %dma_wait3A_17 : memref<1x81x128xi32, #tpu.memory_space<hbm>> -> memref<81x128xi32, #tpu.memory_space<hbm>>
      %dma_wait3A_19 = arith.constant 0 : i32
      %dma_wait3A_20 = arith.constant 0 : i32
      %dma_wait3A_21 = tpu.memref_slice %arg4[%add3A, %dma_wait3A_19, %dma_wait3A_20] : memref<32x81x128xi32, #tpu.memory_space<hbm>> -> memref<1x81x128xi32, #tpu.memory_space<hbm>>
      %dma_wait3A_22 = tpu.memref_squeeze %dma_wait3A_21 : memref<1x81x128xi32, #tpu.memory_space<hbm>> -> memref<81x128xi32, #tpu.memory_space<hbm>>
      tpu.wait_dma2 semaphore(%run_scoped3A : memref<!tpu.dma_semaphore, #tpu.memory_space<semaphore_mem>>) src(%dma_wait3A_22 : memref<81x128xi32, #tpu.memory_space<hbm>>) dst(%arg8 : memref<81x128xi32, #tpu.memory_space<vmem>>)
      tpu.yield
    }) : () -> ()
    %mul3A_1 = arith.constant 640 : i32
    %mul3A_2 = arith.muli %arg1, %mul3A_1 : i32
    "tpu.region"() ({
      %run_scoped3A = tpu.sem_alloc : memref<!tpu.dma_semaphore, #tpu.memory_space<semaphore_mem>>
      %dma_start3A = arith.constant 0 : i32
      %dma_start3A_9 = tpu.memref_slice %arg10[%mul3A_2, %dma_start3A] : memref<10240x128xf32, #tpu.memory_space<vmem_shared>> -> memref<640x128xf32, #tpu.memory_space<vmem_shared>>
      %dma_start3A_10 = arith.constant 0 : i32
      %dma_start3A_11 = tpu.memref_slice %arg5[%mul3A_2, %dma_start3A_10] : memref<10240x128xf32, #tpu.memory_space<hbm>> -> memref<640x128xf32, #tpu.memory_space<hbm>>
      tpu.enqueue_dma source(%dma_start3A_11 : memref<640x128xf32, #tpu.memory_space<hbm>>) target(%dma_start3A_9 : memref<640x128xf32, #tpu.memory_space<vmem_shared>>) target_semaphore(%run_scoped3A : memref<!tpu.dma_semaphore, #tpu.memory_space<semaphore_mem>>)
      %dma_wait3A = arith.constant 0 : i32
      %dma_wait3A_12 = tpu.memref_slice %arg10[%mul3A_2, %dma_wait3A] : memref<10240x128xf32, #tpu.memory_space<vmem_shared>> -> memref<640x128xf32, #tpu.memory_space<vmem_shared>>
      %dma_wait3A_13 = arith.constant 0 : i32
      %dma_wait3A_14 = tpu.memref_slice %arg5[%mul3A_2, %dma_wait3A_13] : memref<10240x128xf32, #tpu.memory_space<hbm>> -> memref<640x128xf32, #tpu.memory_space<hbm>>
      tpu.wait_dma2 semaphore(%run_scoped3A : memref<!tpu.dma_semaphore, #tpu.memory_space<semaphore_mem>>) src(%dma_wait3A_14 : memref<640x128xf32, #tpu.memory_space<hbm>>) dst(%dma_wait3A_12 : memref<640x128xf32, #tpu.memory_space<vmem_shared>>)
      tpu.yield
    }) : () -> ()
    %barrier3A = arith.constant 0 : index
    tpu.barrier barrier_id(%barrier3A)
    %scan3A = arith.constant 0 : i32
    %scan3A_3 = arith.constant 0 : i32
    %scan3A_4 = arith.constant 81 : i32
    %scan3A_5 = arith.addi %scan3A_3, %scan3A_4 : i32
    %scan3A_6 = arith.constant 1 : i32
    scf.for %scan3A_9 = %scan3A_3 to %scan3A_5 step %scan3A_6  : i32 {
      %dma_start3A = arith.constant 0 : i32
      %dma_start3A_10 = tpu.memref_slice %arg7[%scan3A_9, %dma_start3A] : memref<81x128xi32, #tpu.memory_space<vmem>> -> memref<1x128xi32, #tpu.memory_space<vmem>>
      %dma_start3A_11 = tpu.memref_squeeze %dma_start3A_10 : memref<1x128xi32, #tpu.memory_space<vmem>> -> memref<128xi32, #tpu.memory_space<vmem>>
      %dma_start3A_12 = arith.constant 0 : i32
      %dma_start3A_13 = arith.constant 0 : i32
      %dma_start3A_14 = tpu.memref_slice %arg2[%dma_start3A_12, %dma_start3A_13] : memref<10240x128xf32, #tpu.memory_space<hbm>> -> memref<10240x128xf32, #tpu.memory_space<hbm>>
      tpu.enqueue_indirect_dma source(%dma_start3A_14 : memref<10240x128xf32, #tpu.memory_space<hbm>>) target(%arg9 : memref<128x128xf32, #tpu.memory_space<vmem>>) offsets(%dma_start3A_11 : memref<128xi32, #tpu.memory_space<vmem>>) semaphore(%arg11 : memref<!tpu.dma_semaphore, #tpu.memory_space<semaphore_mem>>)
      %dma_wait3A = arith.constant 0 : i32
      %dma_wait3A_15 = tpu.memref_slice %arg7[%scan3A_9, %dma_wait3A] : memref<81x128xi32, #tpu.memory_space<vmem>> -> memref<1x128xi32, #tpu.memory_space<vmem>>
      %dma_wait3A_16 = tpu.memref_squeeze %dma_wait3A_15 : memref<1x128xi32, #tpu.memory_space<vmem>> -> memref<128xi32, #tpu.memory_space<vmem>>
      %dma_wait3A_17 = arith.constant 0 : i32
      %dma_wait3A_18 = arith.constant 0 : i32
      %dma_wait3A_19 = tpu.memref_slice %arg2[%dma_wait3A_17, %dma_wait3A_18] : memref<10240x128xf32, #tpu.memory_space<hbm>> -> memref<10240x128xf32, #tpu.memory_space<hbm>>
      tpu.wait_indirect_dma semaphore(%arg11 : memref<!tpu.dma_semaphore, #tpu.memory_space<semaphore_mem>>) src(%dma_wait3A_19 : memref<10240x128xf32, #tpu.memory_space<hbm>>) dst(%arg9 : memref<128x128xf32, #tpu.memory_space<vmem>>)
      "tpu.region"() ({
        %run_scoped3A = tpu.sem_alloc : memref<!tpu.dma_semaphore, #tpu.memory_space<semaphore_mem>>
        %dma_start3A_20 = arith.constant 0 : i32
        %dma_start3A_21 = tpu.memref_slice %arg8[%scan3A_9, %dma_start3A_20] : memref<81x128xi32, #tpu.memory_space<vmem>> -> memref<1x128xi32, #tpu.memory_space<vmem>>
        %dma_start3A_22 = tpu.memref_squeeze %dma_start3A_21 : memref<1x128xi32, #tpu.memory_space<vmem>> -> memref<128xi32, #tpu.memory_space<vmem>>
        %dma_start3A_23 = arith.constant 0 : i32
        %dma_start3A_24 = arith.constant 0 : i32
        %dma_start3A_25 = tpu.memref_slice %arg10[%dma_start3A_23, %dma_start3A_24] : memref<10240x128xf32, #tpu.memory_space<vmem_shared>> -> memref<10240x128xf32, #tpu.memory_space<vmem_shared>>
        tpu.enqueue_indirect_dma source(%arg9 : memref<128x128xf32, #tpu.memory_space<vmem>>) target(%dma_start3A_25 : memref<10240x128xf32, #tpu.memory_space<vmem_shared>>) offsets(%dma_start3A_22 : memref<128xi32, #tpu.memory_space<vmem>>) semaphore(%run_scoped3A : memref<!tpu.dma_semaphore, #tpu.memory_space<semaphore_mem>>) {add = true}
        %dma_wait3A_26 = arith.constant 0 : i32
        %dma_wait3A_27 = tpu.memref_slice %arg8[%scan3A_9, %dma_wait3A_26] : memref<81x128xi32, #tpu.memory_space<vmem>> -> memref<1x128xi32, #tpu.memory_space<vmem>>
        %dma_wait3A_28 = tpu.memref_squeeze %dma_wait3A_27 : memref<1x128xi32, #tpu.memory_space<vmem>> -> memref<128xi32, #tpu.memory_space<vmem>>
        %dma_wait3A_29 = arith.constant 0 : i32
        %dma_wait3A_30 = arith.constant 0 : i32
        %dma_wait3A_31 = tpu.memref_slice %arg10[%dma_wait3A_29, %dma_wait3A_30] : memref<10240x128xf32, #tpu.memory_space<vmem_shared>> -> memref<10240x128xf32, #tpu.memory_space<vmem_shared>>
        tpu.wait_indirect_dma semaphore(%run_scoped3A : memref<!tpu.dma_semaphore, #tpu.memory_space<semaphore_mem>>) src(%arg9 : memref<128x128xf32, #tpu.memory_space<vmem>>) dst(%dma_wait3A_31 : memref<10240x128xf32, #tpu.memory_space<vmem_shared>>)
        tpu.yield
      }) : () -> ()
    }
    %scan3A_7 = arith.constant 81 : i32
    %barrier3A_8 = arith.constant 0 : index
    tpu.barrier barrier_id(%barrier3A_8)
    "tpu.region"() ({
      %run_scoped3A = tpu.sem_alloc : memref<!tpu.dma_semaphore, #tpu.memory_space<semaphore_mem>>
      %dma_start3A = arith.constant 0 : i32
      %dma_start3A_9 = tpu.memref_slice %arg6[%arg0, %mul3A_2, %dma_start3A] : memref<2x10240x128xf32, #tpu.memory_space<hbm>> -> memref<1x640x128xf32, #tpu.memory_space<hbm>>
      %dma_start3A_10 = tpu.memref_squeeze %dma_start3A_9 : memref<1x640x128xf32, #tpu.memory_space<hbm>> -> memref<640x128xf32, #tpu.memory_space<hbm>>
      %dma_start3A_11 = arith.constant 0 : i32
      %dma_start3A_12 = tpu.memref_slice %arg10[%mul3A_2, %dma_start3A_11] : memref<10240x128xf32, #tpu.memory_space<vmem_shared>> -> memref<640x128xf32, #tpu.memory_space<vmem_shared>>
      tpu.enqueue_dma source(%dma_start3A_12 : memref<640x128xf32, #tpu.memory_space<vmem_shared>>) target(%dma_start3A_10 : memref<640x128xf32, #tpu.memory_space<hbm>>) target_semaphore(%run_scoped3A : memref<!tpu.dma_semaphore, #tpu.memory_space<semaphore_mem>>)
      %dma_wait3A = arith.constant 0 : i32
      %dma_wait3A_13 = tpu.memref_slice %arg6[%arg0, %mul3A_2, %dma_wait3A] : memref<2x10240x128xf32, #tpu.memory_space<hbm>> -> memref<1x640x128xf32, #tpu.memory_space<hbm>>
      %dma_wait3A_14 = tpu.memref_squeeze %dma_wait3A_13 : memref<1x640x128xf32, #tpu.memory_space<hbm>> -> memref<640x128xf32, #tpu.memory_space<hbm>>
      %dma_wait3A_15 = arith.constant 0 : i32
      %dma_wait3A_16 = tpu.memref_slice %arg10[%mul3A_2, %dma_wait3A_15] : memref<10240x128xf32, #tpu.memory_space<vmem_shared>> -> memref<640x128xf32, #tpu.memory_space<vmem_shared>>
      tpu.wait_dma2 semaphore(%run_scoped3A : memref<!tpu.dma_semaphore, #tpu.memory_space<semaphore_mem>>) src(%dma_wait3A_16 : memref<640x128xf32, #tpu.memory_space<vmem_shared>>) dst(%dma_wait3A_14 : memref<640x128xf32, #tpu.memory_space<hbm>>)
      tpu.yield
    }) : () -> ()
    return
  }
}

module attributes {stable_mosaic.version = 14 : i64} {
  func.func @_dinv_body(%arg0: i32, %arg1: memref<1024x2xf32, #tpu.memory_space<vmem>>, %arg2: memref<1024x1xf32, #tpu.memory_space<vmem>>, %arg3: memref<1024x1xf32, #tpu.memory_space<vmem>>) attributes {dimension_semantics = [#tpu.dimension_semantics<arbitrary>], iteration_bounds = array<i64: 10>, scalar_prefetch = 0 : i64, scratch_operands = 0 : i64, tpu.core_type = #tpu.core_type<tc>, window_params = [{transform_indices = @transform_0, window_bounds = array<i64: 1024, 2>}, {transform_indices = @transform_1, window_bounds = array<i64: 1024, 1>}, {transform_indices = @transform_2, window_bounds = array<i64: 1024, 1>}]} {
    %get3A = arith.constant 0 : index
    %get3A_0 = arith.constant 0 : index
    %get3A_1 = vector.load %arg1[%get3A, %get3A_0] : memref<1024x2xf32, #tpu.memory_space<vmem>>, vector<1024x1xf32>
    %get3A_2 = arith.constant 0 : index
    %get3A_3 = arith.constant 1 : index
    %get3A_4 = vector.load %arg1[%get3A_2, %get3A_3] : memref<1024x2xf32, #tpu.memory_space<vmem>>, vector<1024x1xf32>
    %add3A = arith.addf %get3A_1, %get3A_4 : vector<1024x1xf32>
    %gt3A = arith.constant 0.000000e+00 : f32
    %gt3A_5 = vector.broadcast %gt3A : f32 to vector<1024x1xf32>
    %gt3A_6 = arith.cmpf ogt, %add3A, %gt3A_5 : vector<1024x1xf32>
    %rsqrt3A = math.rsqrt %add3A : vector<1024x1xf32>
    %jit3A = arith.constant 0.000000e+00 : f32
    %broadcast_in_dim3A = vector.broadcast %jit3A : f32 to vector<1024x1xf32>
    %select_n3A = arith.select %gt3A_6, %rsqrt3A, %broadcast_in_dim3A : vector<1024x1xi1>, vector<1024x1xf32>
    %swap3A = arith.constant 0 : index
    %swap3A_7 = arith.constant 0 : index
    %swap3A_8 = vector.load %arg2[%swap3A, %swap3A_7] : memref<1024x1xf32, #tpu.memory_space<vmem>>, vector<1024x1xf32>
    tpu.vector_store %arg2[%swap3A, %swap3A_7], %select_n3A {strides = array<i32>} : memref<1024x1xf32, #tpu.memory_space<vmem>>, vector<1024x1xf32>,
    %mul3A = arith.mulf %select_n3A, %select_n3A : vector<1024x1xf32>
    %swap3A_9 = arith.constant 0 : index
    %swap3A_10 = arith.constant 0 : index
    %swap3A_11 = vector.load %arg3[%swap3A_9, %swap3A_10] : memref<1024x1xf32, #tpu.memory_space<vmem>>, vector<1024x1xf32>
    tpu.vector_store %arg3[%swap3A_9, %swap3A_10], %mul3A {strides = array<i32>} : memref<1024x1xf32, #tpu.memory_space<vmem>>, vector<1024x1xf32>,
    return
  }
  func.func @transform_0(%arg0: i32) -> (i32, i32) {
    %c0_i32 = arith.constant 0 : i32
    %c0_i32_0 = arith.constant 0 : i32
    return %arg0, %c0_i32 : i32, i32
  }
  func.func @transform_1(%arg0: i32) -> (i32, i32) {
    %c0_i32 = arith.constant 0 : i32
    %c0_i32_0 = arith.constant 0 : i32
    return %arg0, %c0_i32 : i32, i32
  }
  func.func @transform_2(%arg0: i32) -> (i32, i32) {
    %c0_i32 = arith.constant 0 : i32
    %c0_i32_0 = arith.constant 0 : i32
    return %arg0, %c0_i32 : i32, i32
  }
}

module attributes {stable_mosaic.version = 14 : i64} {
  func.func @_mm_body(%arg0: i32, %arg1: memref<1024x128xf32, #tpu.memory_space<vmem>>, %arg2: memref<128x128xf32, #tpu.memory_space<vmem>>, %arg3: memref<1x128xf32, #tpu.memory_space<vmem>>, %arg4: memref<1024x1xf32, #tpu.memory_space<vmem>>, %arg5: memref<1024x128xf32, #tpu.memory_space<vmem>>) attributes {dimension_semantics = [#tpu.dimension_semantics<arbitrary>], iteration_bounds = array<i64: 10>, scalar_prefetch = 0 : i64, scratch_operands = 0 : i64, tpu.core_type = #tpu.core_type<tc>, window_params = [{transform_indices = @transform_0, window_bounds = array<i64: 1024, 128>}, {pipeline_mode = #tpu.pipeline_mode<synchronous>, transform_indices = @transform_1, window_bounds = array<i64: 128, 128>}, {pipeline_mode = #tpu.pipeline_mode<synchronous>, transform_indices = @transform_2, window_bounds = array<i64: 1, 128>}, {transform_indices = @transform_3, window_bounds = array<i64: 1024, 1>}, {transform_indices = @transform_4, window_bounds = array<i64: 1024, 128>}]} {
    %get3A = arith.constant 0 : index
    %get3A_0 = arith.constant 0 : index
    %get3A_1 = vector.load %arg1[%get3A, %get3A_0] : memref<1024x128xf32, #tpu.memory_space<vmem>>, vector<1024x128xf32>
    %get3A_2 = arith.constant 0 : index
    %get3A_3 = arith.constant 0 : index
    %get3A_4 = vector.load %arg2[%get3A_2, %get3A_3] : memref<128x128xf32, #tpu.memory_space<vmem>>, vector<128x128xf32>
    %dot_general3A = arith.constant dense<0.000000e+00> : vector<1024x128xf32>
    %dot_general3A_5 = tpu.matmul %get3A_1, %get3A_4, %dot_general3A {dimension_numbers = #tpu.dot_dimension_numbers<[1], [0], [0], [1], [0, 0, 1, 1], [], []>, transpose_lhs_hint = false} : vector<1024x128xf32>, vector<128x128xf32>, vector<1024x128xf32> -> vector<1024x128xf32>
    %get3A_6 = arith.constant 0 : index
    %get3A_7 = arith.constant 0 : index
    %get3A_8 = vector.load %arg4[%get3A_6, %get3A_7] : memref<1024x1xf32, #tpu.memory_space<vmem>>, vector<1024x1xf32>
    %get3A_9 = arith.constant 0 : index
    %get3A_10 = arith.constant 0 : index
    %get3A_11 = vector.load %arg3[%get3A_9, %get3A_10] : memref<1x128xf32, #tpu.memory_space<vmem>>, vector<1x128xf32>
    %add3A = vector.broadcast %get3A_11 : vector<1x128xf32> to vector<1024x128xf32>
    %add3A_12 = arith.addf %dot_general3A_5, %add3A : vector<1024x128xf32>
    %mul3A = vector.broadcast %get3A_8 : vector<1024x1xf32> to vector<1024x128xf32>
    %mul3A_13 = arith.mulf %mul3A, %add3A_12 : vector<1024x128xf32>
    %swap3A = arith.constant 0 : index
    %swap3A_14 = arith.constant 0 : index
    %swap3A_15 = vector.load %arg5[%swap3A, %swap3A_14] : memref<1024x128xf32, #tpu.memory_space<vmem>>, vector<1024x128xf32>
    tpu.vector_store %arg5[%swap3A, %swap3A_14], %mul3A_13 {strides = array<i32>} : memref<1024x128xf32, #tpu.memory_space<vmem>>, vector<1024x128xf32>,
    return
  }
  func.func @transform_0(%arg0: i32) -> (i32, i32) {
    %c0_i32 = arith.constant 0 : i32
    %c0_i32_0 = arith.constant 0 : i32
    return %arg0, %c0_i32 : i32, i32
  }
  func.func @transform_1(%arg0: i32) -> (i32, i32) {
    %c0_i32 = arith.constant 0 : i32
    %c0_i32_0 = arith.constant 0 : i32
    %c0_i32_1 = arith.constant 0 : i32
    return %c0_i32, %c0_i32_0 : i32, i32
  }
  func.func @transform_2(%arg0: i32) -> (i32, i32) {
    %c0_i32 = arith.constant 0 : i32
    %c0_i32_0 = arith.constant 0 : i32
    %c0_i32_1 = arith.constant 0 : i32
    return %c0_i32, %c0_i32_0 : i32, i32
  }
  func.func @transform_3(%arg0: i32) -> (i32, i32) {
    %c0_i32 = arith.constant 0 : i32
    %c0_i32_0 = arith.constant 0 : i32
    return %arg0, %c0_i32 : i32, i32
  }
  func.func @transform_4(%arg0: i32) -> (i32, i32) {
    %c0_i32 = arith.constant 0 : i32
    %c0_i32_0 = arith.constant 0 : i32
    return %arg0, %c0_i32 : i32, i32
  }
}

module attributes {stable_mosaic.version = 14 : i64} {
  func.func @_scale_body(%arg0: i32, %arg1: memref<2x1024x128xf32, #tpu.memory_space<vmem>>, %arg2: memref<1024x1xf32, #tpu.memory_space<vmem>>, %arg3: memref<1024x128xf32, #tpu.memory_space<vmem>>) attributes {dimension_semantics = [#tpu.dimension_semantics<arbitrary>], iteration_bounds = array<i64: 10>, scalar_prefetch = 0 : i64, scratch_operands = 0 : i64, tpu.core_type = #tpu.core_type<tc>, window_params = [{transform_indices = @transform_0, window_bounds = array<i64: 2, 1024, 128>}, {transform_indices = @transform_1, window_bounds = array<i64: 1024, 1>}, {transform_indices = @transform_2, window_bounds = array<i64: 1024, 128>}]} {
    %get3A = arith.constant 0 : index
    %get3A_0 = arith.constant 0 : index
    %get3A_1 = vector.load %arg2[%get3A, %get3A_0] : memref<1024x1xf32, #tpu.memory_space<vmem>>, vector<1024x1xf32>
    %get3A_2 = arith.constant 0 : index
    %get3A_3 = arith.constant 0 : index
    %get3A_4 = arith.constant 0 : index
    %get3A_5 = vector.load %arg1[%get3A_2, %get3A_3, %get3A_4] : memref<2x1024x128xf32, #tpu.memory_space<vmem>>, vector<1x1024x128xf32>
    %get3A_6 = vector.shape_cast %get3A_5 : vector<1x1024x128xf32> to vector<1024x128xf32>
    %get3A_7 = arith.constant 1 : index
    %get3A_8 = arith.constant 0 : index
    %get3A_9 = arith.constant 0 : index
    %get3A_10 = vector.load %arg1[%get3A_7, %get3A_8, %get3A_9] : memref<2x1024x128xf32, #tpu.memory_space<vmem>>, vector<1x1024x128xf32>
    %get3A_11 = vector.shape_cast %get3A_10 : vector<1x1024x128xf32> to vector<1024x128xf32>
    %add3A = arith.addf %get3A_6, %get3A_11 : vector<1024x128xf32>
    %mul3A = vector.broadcast %get3A_1 : vector<1024x1xf32> to vector<1024x128xf32>
    %mul3A_12 = arith.mulf %mul3A, %add3A : vector<1024x128xf32>
    %swap3A = arith.constant 0 : index
    %swap3A_13 = arith.constant 0 : index
    %swap3A_14 = vector.load %arg3[%swap3A, %swap3A_13] : memref<1024x128xf32, #tpu.memory_space<vmem>>, vector<1024x128xf32>
    tpu.vector_store %arg3[%swap3A, %swap3A_13], %mul3A_12 {strides = array<i32>} : memref<1024x128xf32, #tpu.memory_space<vmem>>, vector<1024x128xf32>,
    return
  }
  func.func @transform_0(%arg0: i32) -> (i32, i32, i32) {
    %c0_i32 = arith.constant 0 : i32
    %c0_i32_0 = arith.constant 0 : i32
    %c0_i32_1 = arith.constant 0 : i32
    return %c0_i32, %arg0, %c0_i32_0 : i32, i32, i32
  }
  func.func @transform_1(%arg0: i32) -> (i32, i32) {
    %c0_i32 = arith.constant 0 : i32
    %c0_i32_0 = arith.constant 0 : i32
    return %arg0, %c0_i32 : i32, i32
  }
  func.func @transform_2(%arg0: i32) -> (i32, i32) {
    %c0_i32 = arith.constant 0 : i32
    %c0_i32_0 = arith.constant 0 : i32
    return %arg0, %c0_i32 : i32, i32
  }
}

</mosaic_0001>

<sc_bundles>
// kernel: kernel.11.cloned.1.call-start
scs
__scs_entry_jumppad:
0x0: {  	(pc) =	sbr.rel $0x88, $3  }
0x1: {  	(tag) =	ssettag $0x0;
	lr =	simm.s32 $0x1  }
0x2: {  	[smem:$0x3F9D] =	sst lr;
	_ =	strace $0xD0000000  }
0x3: {  	_ = 	snop  }
0x4: {  	_ = 	snop  }
0x5: {  	_ = 	snop  }
0x6: {  	_ = 	snop  }
0x7: {  	_ = 	snop  }
__scs_overlays_trampoline_lowered:
0x8: {  	[smem:$0x3FAC] =	sst s0  }
0x9: {  	[smem:$0x3FAD] =	sst s1  }
0xa: {  	[smem:$0x3FAE] =	sst s2  }
0xb: {  	[smem:$0x3FAF] =	sst s3  }
0xc: {  	[smem:$0x3FB0] =	sst s4  }
0xd: {  	[smem:$0x3FB1] =	sst s5  }
0xe: {  	[smem:$0x3FB2] =	sst s6  }
0xf: {  	[smem:$0x3FB3] =	sst s7  }
0x10: {  	[smem:$0x3FB4] =	sst s8  }
0x11: {  	[smem:$0x3FB5] =	sst s9;
	s0 =	simm.s32 @!p0 $0x0  }
0x12: {  	s1 =	sld [smem:$0x3F9B];
	s0 =	simm.s32 @p0 $0x1  }
0x13: {  	[smem:$0x3FB6] =	sst s0;
	s0 =	simm.s32 @!p1 $0x0  }
0x14: {  	s2 =	sld [smem:$0x3F9A];
	s0 =	simm.s32 @p1 $0x1  }
0x15: {  	[smem:$0x3FB7] =	sst s0;
	s0 =	simm.s32 @!p2 $0x0  }
0x16: {  	s3 =	sld [smem:$0x3FDB];
	s0 =	simm.s32 @p2 $0x1  }
0x17: {  	s4 =	simm.s32 $0x1BF5;
	[smem:$0x3FB9] =	sst s0  }
0x18: {  	s0 =	sld [smem:$0x3F9C];
	_ =	swait.ge [sflag:s4], $0x0  }
0x19: {  	s7 =	sld [smem:$0x3F9D]  }
0x1a: {  	s8 =	sadd.s32 $0xFFFFE003, lr  }
0x1b: {  	s9 =	sadd.s32 $0xFFFFFEF7, lr;
	s5 =	simm.s32 $0xFFFFFFFF;
	p2 =	slt.u32 s8, $0xFFFFF086  }
0x1c: {  	p1 =	slt.u32 s9, $0xF7A;
	s5 =	simm.s32 @!p2 $0x0  }
0x1d: {  	s5 =	simm.s32 @p1 $0x1;
	p0 =	seq.s32 s7, s2  }
0x1e: {  	s7 =	smul.u32 @!p0 $0xF7A, s2;
	p2 =	seq.s32 @!p0 s5, $0x0  }
0x1f: {  	s9 =	smul.u32 $0xF7A, s1;
	s8 =	simm.s32 @!p0 $0x1BF5;
	p2 =	por !p2, p0  }
0x20: {  	[sflag:s8] =	ssyncset.s32 @!p0 $0xFFFFF086;
	s6 =	sadd.s32 @!p0 s3, s7;
	s7 =	simm.s32 @!p0 $0x108  }
0x21: {  	s3 =	sadd.s32 s3, s9;
	s6 =	sadd.s32 @!p0 $0x88, s6;
	s7 =	simm.s32 @p2 $0x1082  }
0x22: {  	[simem:s7], [sflag:s8] =	dma.local @!p0 [hbm:s6], $0xF7A  }
0x23: {  	s9 =	sor.u32 $0xD0000000, s2;
	s6 =	simm.s32 $0x108;
	_ =	swait.ge @!p0 [sflag:s8], $0x0  }
0x24: {  	s3 =	sadd.s32 $0x88, s3;
	s6 =	simm.s32 @!p1 $0x1082;
	[sflag:s4] =	ssyncset.s32 $0xFFFFF086  }
0x25: {  	[simem:s6], [sflag:s4] =	dma.local [hbm:s3], $0xF7A  }
0x26: {  	[smem:$0x3F9D] =	sst s1;
	(tag) =	ssettag s2;
	_ =	strace s9  }
0x27: {  	s1 =	sld [smem:$0x3FAD]  }
0x28: {  	s2 =	sld [smem:$0x3FAE]  }
0x29: {  	s4 =	sld [smem:$0x3FB0]  }
0x2a: {  	p0 =	seq.s32 s5, $0x0;
	s5 =	sld [smem:$0x3FB1]  }
0x2b: {  	s6 =	sld [smem:$0x3FB2]  }
0x2c: {  	s7 =	sld [smem:$0x3FB3]  }
0x2d: {  	s3 =	simm.s32 $0x108;
	s8 =	sld [smem:$0x3FB4]  }
0x2e: {  	s3 =	simm.s32 @!p0 $0x1082;
	s9 =	sld [smem:$0x3FB5]  }
0x2f: {  	lr =	sadd.s32 s0, s3;
	s0 =	sld [smem:$0x3FAC]  }
0x30: {  	s3 =	sld [smem:$0x3FAF]  }
0x31: {  	[smem:$0x3FB8] =	sst s10  }
0x32: {  	s10 =	sld [smem:$0x3FB6];
	_ =	sdelay $0x3  }
0x33: {  	p0 =	seq.s32 s10, $0x1;
	s10 =	sld [smem:$0x3FB8];
	_ =	sdelay $0x3  }
0x34: {  	[smem:$0x3FB8] =	sst s10  }
0x35: {  	s10 =	sld [smem:$0x3FB7];
	_ =	sdelay $0x3  }
0x36: {  	p1 =	seq.s32 s10, $0x1;
	s10 =	sld [smem:$0x3FB8];
	_ =	sdelay $0x3  }
0x37: {  	[smem:$0x3FB8] =	sst s10  }
0x38: {  	s10 =	sld [smem:$0x3FB9]  }
0x39: {  	_ = 	snop;
	(pc) =	sbr.ind lr, $3  }
0x3a: {  	_ = 	snop  }
0x3b: {  	_ = 	snop  }
0x3c: {  	p2 =	seq.s32 s10, $0x1;
	s10 =	sld [smem:$0x3FB8]  }
0x3d: {  	_ =	shalt  }
0x3e: {  	_ =	shalt  }
0x3f: {  	_ =	shalt  }
0x40: {  	_ =	shalt  }
0x41: {  	_ =	shalt  }
0x42: {  	_ =	shalt  }
0x43: {  	_ =	shalt  }
0x44: {  	_ =	shalt  }
0x45: {  	_ =	shalt  }
0x46: {  	_ =	shalt  }
0x47: {  	_ =	shalt  }
0x48: {  	_ =	shalt  }
0x49: {  	_ =	shalt  }
0x4a: {  	_ =	shalt  }
0x4b: {  	_ =	shalt  }
0x4c: {  	_ =	shalt  }
0x4d: {  	_ =	shalt  }
0x4e: {  	_ =	shalt  }
0x4f: {  	_ =	shalt  }
0x50: {  	_ =	shalt  }
0x51: {  	_ =	shalt  }
0x52: {  	_ =	shalt  }
0x53: {  	_ =	shalt  }
0x54: {  	_ =	shalt  }
0x55: {  	_ =	shalt  }
0x56: {  	_ =	shalt  }
0x57: {  	_ =	shalt  }
0x58: {  	_ =	shalt  }
0x59: {  	_ =	shalt  }
0x5a: {  	_ =	shalt  }
0x5b: {  	_ =	shalt  }
0x5c: {  	_ =	shalt  }
0x5d: {  	_ =	shalt  }
0x5e: {  	_ =	shalt  }
0x5f: {  	_ =	shalt  }
0x60: {  	_ =	shalt  }
0x61: {  	_ =	shalt  }
0x62: {  	_ =	shalt  }
0x63: {  	_ =	shalt  }
0x64: {  	_ =	shalt  }
0x65: {  	_ =	shalt  }
0x66: {  	_ =	shalt  }
0x67: {  	_ =	shalt  }
0x68: {  	_ =	shalt  }
0x69: {  	_ =	shalt  }
0x6a: {  	_ =	shalt  }
0x6b: {  	_ =	shalt  }
0x6c: {  	_ =	shalt  }
0x6d: {  	_ =	shalt  }
0x6e: {  	_ =	shalt  }
0x6f: {  	_ =	shalt  }
0x70: {  	_ =	shalt  }
0x71: {  	_ =	shalt  }
0x72: {  	_ =	shalt  }
0x73: {  	_ =	shalt  }
0x74: {  	_ =	shalt  }
0x75: {  	_ =	shalt  }
0x76: {  	_ =	shalt  }
0x77: {  	_ =	shalt  }
0x78: {  	_ =	shalt  }
0x79: {  	_ =	shalt  }
0x7a: {  	_ =	shalt  }
0x7b: {  	_ =	shalt  }
0x7c: {  	_ =	shalt  }
0x7d: {  	_ =	shalt  }
0x7e: {  	_ =	shalt  }
0x7f: {  	_ =	shalt  }
0x80: {  	_ =	shalt  }
0x81: {  	_ =	shalt  }
0x82: {  	_ =	shalt  }
0x83: {  	_ =	shalt  }
0x84: {  	_ =	shalt  }
0x85: {  	_ =	shalt  }
0x86: {  	_ =	shalt  }
0x87: {  	_ =	shalt  }
.Lfunc_end0:
.L_simem_size_0:
called_computation_lowered:
.L_overlay_start_0:
0x88: {  	s2 =	sld [smem:$0x3FD9]  }
0x89: {  	s3 =	sld [smem:$0x3FFE];
	_ =	sdelay $0x1  }
0x8a: {  	s1 =	srdreg.scid  }
0x8b: {  	s0 =	sand.u32 $0x1, s1  }
0x8c: {  	s17 =	sshll.u32 s0, $0xA;
	s2 =	sadd.s32 s3, s2  }
0x8d: {  	s2 =	sadd.s32 s2, s17  }
0x8e: {  	[smem:$0x3FC4] =	sst s2  }
0x8f: {  	_ = 	snop  }
0x90: {  	s2 =	sld [smem:$0x3FD0];
	(tm) =	ssettm $0x1  }
0x91: {  	s18 =	sld [smem:$0x3FFB];
	_ =	sdelay $0x3  }
0x92: {  	_ =	strace s18  }
0x93: {  	s3 =	sld [smem:$0x3FFC];
	_ =	sdelay $0x3  }
0x94: {  	_ =	strace s3  }
0x95: {  	s3 =	sld [smem:$0x3FFD];
	_ =	sdelay $0x3  }
0x96: {  	_ =	strace s3  }
0x97: {  	_ =	strace $0x8FFFFFFF  }
0x98: {  	s19 =	sld [smem:$0x3FDB];
	_ =	sdelay $0x1  }
0x99: {  	s4 =	simm.s32 $_scs_section_size  }
0x9a: {  	s5 =	simm.s32 $_size__tile_overlayer_lowered;
	s6 =	simm.s32 $_tile_overlayer_lowered  }
0x9b: {  	s22 =	simm.s32 $0x1BFF;
	s21 =	sshll.u32 s6, $0x1;
	s3 =	sadd.s32 s4, s19  }
0x9c: {  	s7 =	simm.s32 $0x0;
	s20 =	sshll.u32 s5, $0x1;
	s5 =	sadd.s32 s21, s3  }
0x9d: {  	[timem:s7], [sflag:s22] =	dma.local [hbm:s5], s20  }
0x9e: {  	_ =	swait.ge [sflag:s22], s20  }
0x9f: {  	s4 =	ssub.s32 $0x0, s20;
	[sflag:s22] =	ssyncset.done $0x0  }
0xa0: {  	[sflag:s22] =	ssyncadd.s32 s4;
	_ =	sdelay $0x1  }
0xa1: {  	s23 =	simm.s32 $0x1B8B  }
0xa2: {  	_ =	swait.ge [sflag:s23], $0x1  }
0xa3: {  	[sflag:s23] =	ssyncset.done $0x0  }
0xa4: {  	s25 =	simm.s32 $0x1B8E;
	s24 =	sld [smem:$0x3FFE];
	[sflag:s23] =	ssyncadd.s32 $0xFFFFFFFF  }
0xa5: {  	s26 =	simm.s32 $execute0_lowered;
	[smem:$0x3FD2] =	sst s25  }
0xa6: {  	s5 =	sshll.u32 s26, $0x1;
	_ =	strace $0x80000046;
	[dreg:$0x1] =	wrdreg $0xFFFFFFFF  }
0xa7: {  	s28 =	simm.s32 $_size_execute0_lowered;
	s3 =	sadd.s32 s3, s5;
	[dreg:$0x0] =	wrdreg $0x0  }
0xa8: {  	s5 =	sshll.u32 s28, $0x1;
	[dreg:$0x2] =	wrdreg s3  }
0xa9: {  	[dreg:$0x3] =	wrdreg s5  }
0xaa: {  	[dreg:$0x4] =	wrdreg $0xC0  }
0xab: {  	_ =	task [dreg:s7], $0x5FFFF  }
0xac: {  	[dreg:$0x1] =	wrdreg $0xFFFFFFFF  }
0xad: {  	[dreg:$0x0] =	wrdreg $0x60  }
0xae: {  	[dreg:$0x2] =	wrdreg s2  }
0xaf: {  	[dreg:$0x3] =	wrdreg s24  }
0xb0: {  	[dreg:$0x4] =	wrdreg $0x2C800  }
0xb1: {  	[dreg:$0x5] =	wrdreg $0x9  }
0xb2: {  	_ =	task.clear_ibuf [dreg:s7], $0x6FFFF;
	_ =	strace $0x90000046  }
0xb3: {  	s29 =	simm.s32 $0x9;
	_ =	strace $0x80000048  }
0xb4: {  	_ =	swait.ge [sflag:s29], $0x1  }
0xb5: {  	[sflag:s29] =	ssyncadd.s32 $0xFFFFFFFF  }
0xb6: {  	_ =	strace $0x90000048  }
0xb7: {  	_ =	sfence  }
0xb8: {  	s30 =	sld [smem:$0x0];
	_ =	sdelay $0x2  }
0xb9: {  	s31 =	sshll.u32 s1, $0xD;
	s1 =	sshrl.u32 s1, $0x2  }
0xba: {  	s3 =	sand.u32 $0x4000, s31;
	s1 =	sadd.s32 s1, s30  }
0xbb: {  	s0 =	sor.u32 s3, s0;
	s1 =	sshll.u32 s1, $0x11  }
0xbc: {  	s0 =	sor.u32 s1, s0  }
0xbd: {  	s0 =	sadd.s32 $0x8F2B, s0  }
0xbe: {  	[sflag:s0] =	ssyncadd.remote.s32 $0x1  }
0xbf: {  	_ =	sfence.sel $0xFFFF  }
0xc0: {  	[dreg:$0x0] =	wrdreg $0xFFFFFFFF;
	(pc) =	sbr.abs _section_cstart, $3  }
0xc1: {  	[dreg:$0x1] =	wrdreg $0xFFFFFFFF  }
0xc2: {  	_ =	task.clear_ibuf [dreg:s7], $0x2FFFF;
	_ =	strace $0x9FFFFFFF  }
0xc3: {  	(tm) =	ssettm $0x7FFFFFFF  }
tec
execute0_lowered:
.L_overlay_start_1:
0x0: {  	(tag) =	ssettag $0x1  }
0x1: {  	s5 =	rddreg [dreg:$0x0]  }
0x2: {  	s6 =	rddreg [dreg:$0x1]  }
0x3: {  	s2 =	rddreg [dreg:$0x2]  }
0x4: {  	s0 =	rddreg [dreg:$0x3];
	s3 =	simm.s32 $0x0;
	s1 =	stileid.u32  }
0x5: {  	s4 =	srdreg.scid;
	s13 =	simm.s32 $0x80;
	s14 =	simm.s32 $0x20  }
0x6: {  	s15 =	simm.s32 $0x10;
	s16 =	simm.s32 $0x0;
	s7 =	smul.u32 $0x280, s1  }
0x7: {  	[smem:$0x7FF] =	sst s3;
	s8 =	sand.u32 $0x1, s4;
	s9 =	smul.u32 $0x500, s1  }
0x8: {  	s4 =	sadd.s32 $0x2200, s6;
	s11 =	sshll.u32 s1, $0x1;
	s31 =	sshll.u32 s1, $0x6  }
0x9: {  	_ =	strace $0x80000047;
	s10 =	sshll.u32 s8, $0x7;
	s26 =	sor.u32 s8, s11  }
0xa: {  	s8 =	ssub.s32 $0x2, s8;
	s11 =	sor.u32 $0x1C01, s31;
	s12 =	sshrl.u32 s7, $0x3  }
0xb: {  	s9 =	sor.u32 s10, s9;
	s10 =	smul.u32 $0x580, s26;
	s29 =	sshrl.u32 s8, $0x1  }
0xc: {  	s30 =	sadd.s32 s7, s2;
	s9 =	sshrl.u32 s9, $0x3;
	s28 =	sadd.s32 s12, s6  }
0xd: {  	s8 =	ssub.s32 s8, s29;
	s12 =	sshrl.u32 s30, $0x3;
	s9 =	sadd.s32 s9, s6  }
0xe: {  	s5 =	sadd.s32 s5, s10;
	s6 =	sadd.s32 $0x2400, s28;
	s8 =	smax.u32 s8, $0x1  }
0xf: {  	s10 =	simm.s32 $0x2C00;
	s7 =	sadd.s32 $0x2A00, s9;
	s9 =	simm.s32 $0x1  }
.LBB2_1:
0x10: {  	[tilespmem:s3], [sflag:$0x1] =	stream.linear.gather [hbm4b:s5+s3], $0x2880, $0x38;
	[tilespmem:$0x2F00] =	vst v63  }
0x11: {  	_ =	swait.ge [sflag:s9], $0x2880  }
0x12: {  	[sflag:s9] =	ssyncset.done $0x0  }
0x13: {  	[sflag:s9] =	ssyncadd.s32 $0xFFFFD780  }
0x14: {  	[tilespmem:s10], [sflag:$0x1] =	stream.linear.gather [hbm4b:s4+s3], $0x80, $0x38;
	[tilespmem:$0x2F00] =	vst v63  }
0x15: {  	_ =	swait.ge [sflag:s9], $0x80  }
0x16: {  	[sflag:s9] =	ssyncset.done $0x0  }
0x17: {  	[sflag:s9] =	ssyncadd.s32 $0xFFFFFF80  }
0x18: {  	[spmem:s12], [sflag:s11] =	dma.local [hbm:s6], $0x50  }
0x19: {  	_ =	swait.ge [sflag:s9], $0x50  }
0x1a: {  	[sflag:s9] =	ssyncset.done $0x0  }
0x1b: {  	[sflag:s9] =	ssyncadd.s32 $0xFFFFFFB0  }
0x1c: {  	s17 =	simm.s32 $0x0;
	[bflag:$0x0] =	sbarrier.arrive $0xFFFF  }
0x1d: {  	[spmem:s2] =	stream.indirect.scatter.add.f32 [tilespmem:s10], [sflag:$0x1], $0x1, s17, s13, $0xb8;
	[tilespmem:$0x2F00] =	vst v63  }
0x1e: {  	_ =	swait.ge [sflag:s9], $0x80  }
0x1f: {  	s17 =	simm.s32 $0x200;
	[sflag:s9] =	ssyncset.done $0x0  }
.LBB2_2:
0x20: {  	s18 =	sshra.s32 s17, $0x2;
	[sflag:s9] =	ssyncadd.s32 $0xFFFFFF80;
	p0 =	sne.s32 s17, $0xA000  }
0x21: {  	[spmem:s2] =	stream.indirect.scatter.add.f32 [tilespmem:s10], [sflag:$0x1], $0x1, s18, s13, $0xb8;
	[tilespmem:$0x2F00] =	vst v63  }
.Ltmp0:
0x22: {  	_ = 	snop;
	(pc) =	sbr.rel @p0 .LBB2_2-.Ltmp0, $4  }
0x23: {  	_ = 	snop  }
0x24: {  	s17 =	sadd.s32 $0x200, s17  }
0x25: {  	_ =	swait.ge [sflag:s9], $0x80  }
0x26: {  	[sflag:s9] =	ssyncset.done $0x0  }
0x27: {  	s16 =	sadd.s32 $0x1, s16  }
0x28: {  	[sflag:s9] =	ssyncadd.s32 $0xFFFFFF80;
	p0 =	sne.s32 s16, s8  }
.Ltmp1:
0x29: {  	[bflag:$0x0] =	sbarrier.arrive $0xFFFF;
	(pc) =	sbr.rel @p0 .LBB2_1-.Ltmp1, $4  }
0x2a: {  	[hbm:s7@s14], [sflag:s11] =	dma.strided [spmem:s12@s15], $0x50, s9, $0x10   }
0x2b: {  	_ =	swait.ge [sflag:s9], $0x50  }
0x2c: {  	[sflag:s9] =	ssyncset.done $0x0  }
0x2d: {  	[sflag:s9] =	ssyncadd.s32 $0xFFFFFFB0  }
0x2e: {  	_ =	sfence.sel $0x180000  }
0x2f: {  	[bflag:$0x0] =	sbarrier.arrive $0xFFFF  }
0x30: {  	p0 =	sne.s32 s1, $0x0;
	_ =	strace $0x90000047  }
0x31: {  	s0 =	sadd.s32 @!p0 $0x100000, s0;
	[bflag:$0x2] =	sbarrier.arrive $0xFFFF  }
0x32: {  	[sflag:s0] =	ssyncadd.tile.s32 @!p0 $0x1;
	_ =	shalt  }
.Lfunc_end2:
_tile_overlayer_lowered:
.L_overlay_start_2:
0x33: {  	(tag) =	ssettag $0x2  }
0x34: {  	s0 =	rddreg [dreg:$0x0];
	s2 =	stileid.u32  }
0x35: {  	s1 =	rddreg [dreg:$0x1];
	p0 =	sne.s32 s2, $0x0  }
0x36: {  	s3 =	rddreg [dreg:$0x2];
	[bflag:$0x3] =	sbarrier.arrive $0xFFFF;
	s2 =	simm.s32 @!p0 $0x1C01  }
0x37: {  	[timem:s3], [sflag:s2] =	dma.local @!p0 [hbm:s0], s1  }
0x38: {  	s0 =	simm.s32 @!p0 $0x1  }
0x39: {  	_ =	swait.ge @!p0 [sflag:s0], s1  }
0x3a: {  	s1 =	ssub.s32 @!p0 $0x0, s1;
	[sflag:s0] =	ssyncset.done @!p0 $0x0  }
0x3b: {  	[sflag:s0] =	ssyncadd.s32 @!p0 s1  }
0x3c: {  	[bflag:$0x3] =	sbarrier.arrive $0xFFFF  }
0x3d: {  	_ =	shalt  }

// kernel: kernel.14.cloned.1.call-start
scs
__scs_entry_jumppad:
0x0: {  	(pc) =	sbr.rel $0x88, $3  }
0x1: {  	(tag) =	ssettag $0x0;
	lr =	simm.s32 $0x1  }
0x2: {  	[smem:$0x3F9D] =	sst lr;
	_ =	strace $0xD0000000  }
0x3: {  	_ = 	snop  }
0x4: {  	_ = 	snop  }
0x5: {  	_ = 	snop  }
0x6: {  	_ = 	snop  }
0x7: {  	_ = 	snop  }
__scs_overlays_trampoline_lowered:
0x8: {  	[smem:$0x3FAC] =	sst s0  }
0x9: {  	[smem:$0x3FAD] =	sst s1  }
0xa: {  	[smem:$0x3FAE] =	sst s2  }
0xb: {  	[smem:$0x3FAF] =	sst s3  }
0xc: {  	[smem:$0x3FB0] =	sst s4  }
0xd: {  	[smem:$0x3FB1] =	sst s5  }
0xe: {  	[smem:$0x3FB2] =	sst s6  }
0xf: {  	[smem:$0x3FB3] =	sst s7  }
0x10: {  	[smem:$0x3FB4] =	sst s8  }
0x11: {  	[smem:$0x3FB5] =	sst s9;
	s0 =	simm.s32 @!p0 $0x0  }
0x12: {  	s1 =	sld [smem:$0x3F9B];
	s0 =	simm.s32 @p0 $0x1  }
0x13: {  	[smem:$0x3FB6] =	sst s0;
	s0 =	simm.s32 @!p1 $0x0  }
0x14: {  	s2 =	sld [smem:$0x3F9A];
	s0 =	simm.s32 @p1 $0x1  }
0x15: {  	[smem:$0x3FB7] =	sst s0;
	s0 =	simm.s32 @!p2 $0x0  }
0x16: {  	s3 =	sld [smem:$0x3FDB];
	s0 =	simm.s32 @p2 $0x1  }
0x17: {  	s4 =	simm.s32 $0x1BF5;
	[smem:$0x3FB9] =	sst s0  }
0x18: {  	s0 =	sld [smem:$0x3F9C];
	_ =	swait.ge [sflag:s4], $0x0  }
0x19: {  	s7 =	sld [smem:$0x3F9D]  }
0x1a: {  	s8 =	sadd.s32 $0xFFFFE003, lr  }
0x1b: {  	s9 =	sadd.s32 $0xFFFFFEF7, lr;
	s5 =	simm.s32 $0xFFFFFFFF;
	p2 =	slt.u32 s8, $0xFFFFF086  }
0x1c: {  	p1 =	slt.u32 s9, $0xF7A;
	s5 =	simm.s32 @!p2 $0x0  }
0x1d: {  	s5 =	simm.s32 @p1 $0x1;
	p0 =	seq.s32 s7, s2  }
0x1e: {  	s7 =	smul.u32 @!p0 $0xF7A, s2;
	p2 =	seq.s32 @!p0 s5, $0x0  }
0x1f: {  	s9 =	smul.u32 $0xF7A, s1;
	s8 =	simm.s32 @!p0 $0x1BF5;
	p2 =	por !p2, p0  }
0x20: {  	[sflag:s8] =	ssyncset.s32 @!p0 $0xFFFFF086;
	s6 =	sadd.s32 @!p0 s3, s7;
	s7 =	simm.s32 @!p0 $0x108  }
0x21: {  	s3 =	sadd.s32 s3, s9;
	s6 =	sadd.s32 @!p0 $0x88, s6;
	s7 =	simm.s32 @p2 $0x1082  }
0x22: {  	[simem:s7], [sflag:s8] =	dma.local @!p0 [hbm:s6], $0xF7A  }
0x23: {  	s9 =	sor.u32 $0xD0000000, s2;
	s6 =	simm.s32 $0x108;
	_ =	swait.ge @!p0 [sflag:s8], $0x0  }
0x24: {  	s3 =	sadd.s32 $0x88, s3;
	s6 =	simm.s32 @!p1 $0x1082;
	[sflag:s4] =	ssyncset.s32 $0xFFFFF086  }
0x25: {  	[simem:s6], [sflag:s4] =	dma.local [hbm:s3], $0xF7A  }
0x26: {  	[smem:$0x3F9D] =	sst s1;
	(tag) =	ssettag s2;
	_ =	strace s9  }
0x27: {  	s1 =	sld [smem:$0x3FAD]  }
0x28: {  	s2 =	sld [smem:$0x3FAE]  }
0x29: {  	s4 =	sld [smem:$0x3FB0]  }
0x2a: {  	p0 =	seq.s32 s5, $0x0;
	s5 =	sld [smem:$0x3FB1]  }
0x2b: {  	s6 =	sld [smem:$0x3FB2]  }
0x2c: {  	s7 =	sld [smem:$0x3FB3]  }
0x2d: {  	s3 =	simm.s32 $0x108;
	s8 =	sld [smem:$0x3FB4]  }
0x2e: {  	s3 =	simm.s32 @!p0 $0x1082;
	s9 =	sld [smem:$0x3FB5]  }
0x2f: {  	lr =	sadd.s32 s0, s3;
	s0 =	sld [smem:$0x3FAC]  }
0x30: {  	s3 =	sld [smem:$0x3FAF]  }
0x31: {  	[smem:$0x3FB8] =	sst s10  }
0x32: {  	s10 =	sld [smem:$0x3FB6];
	_ =	sdelay $0x3  }
0x33: {  	p0 =	seq.s32 s10, $0x1;
	s10 =	sld [smem:$0x3FB8];
	_ =	sdelay $0x3  }
0x34: {  	[smem:$0x3FB8] =	sst s10  }
0x35: {  	s10 =	sld [smem:$0x3FB7];
	_ =	sdelay $0x3  }
0x36: {  	p1 =	seq.s32 s10, $0x1;
	s10 =	sld [smem:$0x3FB8];
	_ =	sdelay $0x3  }
0x37: {  	[smem:$0x3FB8] =	sst s10  }
0x38: {  	s10 =	sld [smem:$0x3FB9]  }
0x39: {  	_ = 	snop;
	(pc) =	sbr.ind lr, $3  }
0x3a: {  	_ = 	snop  }
0x3b: {  	_ = 	snop  }
0x3c: {  	p2 =	seq.s32 s10, $0x1;
	s10 =	sld [smem:$0x3FB8]  }
0x3d: {  	_ =	shalt  }
0x3e: {  	_ =	shalt  }
0x3f: {  	_ =	shalt  }
0x40: {  	_ =	shalt  }
0x41: {  	_ =	shalt  }
0x42: {  	_ =	shalt  }
0x43: {  	_ =	shalt  }
0x44: {  	_ =	shalt  }
0x45: {  	_ =	shalt  }
0x46: {  	_ =	shalt  }
0x47: {  	_ =	shalt  }
0x48: {  	_ =	shalt  }
0x49: {  	_ =	shalt  }
0x4a: {  	_ =	shalt  }
0x4b: {  	_ =	shalt  }
0x4c: {  	_ =	shalt  }
0x4d: {  	_ =	shalt  }
0x4e: {  	_ =	shalt  }
0x4f: {  	_ =	shalt  }
0x50: {  	_ =	shalt  }
0x51: {  	_ =	shalt  }
0x52: {  	_ =	shalt  }
0x53: {  	_ =	shalt  }
0x54: {  	_ =	shalt  }
0x55: {  	_ =	shalt  }
0x56: {  	_ =	shalt  }
0x57: {  	_ =	shalt  }
0x58: {  	_ =	shalt  }
0x59: {  	_ =	shalt  }
0x5a: {  	_ =	shalt  }
0x5b: {  	_ =	shalt  }
0x5c: {  	_ =	shalt  }
0x5d: {  	_ =	shalt  }
0x5e: {  	_ =	shalt  }
0x5f: {  	_ =	shalt  }
0x60: {  	_ =	shalt  }
0x61: {  	_ =	shalt  }
0x62: {  	_ =	shalt  }
0x63: {  	_ =	shalt  }
0x64: {  	_ =	shalt  }
0x65: {  	_ =	shalt  }
0x66: {  	_ =	shalt  }
0x67: {  	_ =	shalt  }
0x68: {  	_ =	shalt  }
0x69: {  	_ =	shalt  }
0x6a: {  	_ =	shalt  }
0x6b: {  	_ =	shalt  }
0x6c: {  	_ =	shalt  }
0x6d: {  	_ =	shalt  }
0x6e: {  	_ =	shalt  }
0x6f: {  	_ =	shalt  }
0x70: {  	_ =	shalt  }
0x71: {  	_ =	shalt  }
0x72: {  	_ =	shalt  }
0x73: {  	_ =	shalt  }
0x74: {  	_ =	shalt  }
0x75: {  	_ =	shalt  }
0x76: {  	_ =	shalt  }
0x77: {  	_ =	shalt  }
0x78: {  	_ =	shalt  }
0x79: {  	_ =	shalt  }
0x7a: {  	_ =	shalt  }
0x7b: {  	_ =	shalt  }
0x7c: {  	_ =	shalt  }
0x7d: {  	_ =	shalt  }
0x7e: {  	_ =	shalt  }
0x7f: {  	_ =	shalt  }
0x80: {  	_ =	shalt  }
0x81: {  	_ =	shalt  }
0x82: {  	_ =	shalt  }
0x83: {  	_ =	shalt  }
0x84: {  	_ =	shalt  }
0x85: {  	_ =	shalt  }
0x86: {  	_ =	shalt  }
0x87: {  	_ =	shalt  }
.Lfunc_end0:
.L_simem_size_0:
called_computation.1_lowered:
.L_overlay_start_0:
0x88: {  	s2 =	sld [smem:$0x3FD9]  }
0x89: {  	s3 =	sld [smem:$0x3FFE];
	_ =	sdelay $0x1  }
0x8a: {  	s1 =	srdreg.scid  }
0x8b: {  	s0 =	sand.u32 $0x1, s1  }
0x8c: {  	s17 =	sshll.u32 s0, $0xA;
	s2 =	sadd.s32 s3, s2  }
0x8d: {  	s2 =	sadd.s32 s2, s17  }
0x8e: {  	[smem:$0x3FC4] =	sst s2  }
0x8f: {  	_ = 	snop  }
0x90: {  	s2 =	sld [smem:$0x3FD0];
	(tm) =	ssettm $0x1  }
0x91: {  	s18 =	sld [smem:$0x3FFB];
	_ =	sdelay $0x3  }
0x92: {  	_ =	strace s18  }
0x93: {  	s3 =	sld [smem:$0x3FFC];
	_ =	sdelay $0x3  }
0x94: {  	_ =	strace s3  }
0x95: {  	s3 =	sld [smem:$0x3FFD];
	_ =	sdelay $0x3  }
0x96: {  	_ =	strace s3  }
0x97: {  	_ =	strace $0x8FFFFFFF  }
0x98: {  	s19 =	sld [smem:$0x3FDB];
	_ =	sdelay $0x1  }
0x99: {  	s4 =	simm.s32 $_scs_section_size  }
0x9a: {  	s5 =	simm.s32 $_size__tile_overlayer_lowered;
	s6 =	simm.s32 $_tile_overlayer_lowered  }
0x9b: {  	s22 =	simm.s32 $0x1BFF;
	s21 =	sshll.u32 s6, $0x1;
	s3 =	sadd.s32 s4, s19  }
0x9c: {  	s7 =	simm.s32 $0x0;
	s20 =	sshll.u32 s5, $0x1;
	s5 =	sadd.s32 s21, s3  }
0x9d: {  	[timem:s7], [sflag:s22] =	dma.local [hbm:s5], s20  }
0x9e: {  	_ =	swait.ge [sflag:s22], s20  }
0x9f: {  	s4 =	ssub.s32 $0x0, s20;
	[sflag:s22] =	ssyncset.done $0x0  }
0xa0: {  	[sflag:s22] =	ssyncadd.s32 s4;
	_ =	sdelay $0x1  }
0xa1: {  	s23 =	simm.s32 $0x1B8B  }
0xa2: {  	_ =	swait.ge [sflag:s23], $0x1  }
0xa3: {  	[sflag:s23] =	ssyncset.done $0x0  }
0xa4: {  	s25 =	simm.s32 $0x1B8E;
	s24 =	sld [smem:$0x3FFE];
	[sflag:s23] =	ssyncadd.s32 $0xFFFFFFFF  }
0xa5: {  	s26 =	simm.s32 $execute0_lowered;
	[smem:$0x3FD2] =	sst s25  }
0xa6: {  	s5 =	sshll.u32 s26, $0x1;
	_ =	strace $0x80000049;
	[dreg:$0x1] =	wrdreg $0xFFFFFFFF  }
0xa7: {  	s28 =	simm.s32 $_size_execute0_lowered;
	s3 =	sadd.s32 s3, s5;
	[dreg:$0x0] =	wrdreg $0x0  }
0xa8: {  	s5 =	sshll.u32 s28, $0x1;
	[dreg:$0x2] =	wrdreg s3  }
0xa9: {  	[dreg:$0x3] =	wrdreg s5  }
0xaa: {  	[dreg:$0x4] =	wrdreg $0xC0  }
0xab: {  	_ =	task [dreg:s7], $0x5FFFF  }
0xac: {  	[dreg:$0x1] =	wrdreg $0xFFFFFFFF  }
0xad: {  	[dreg:$0x0] =	wrdreg $0x60  }
0xae: {  	[dreg:$0x2] =	wrdreg s24  }
0xaf: {  	[dreg:$0x3] =	wrdreg s2  }
0xb0: {  	[dreg:$0x4] =	wrdreg $0x98000  }
0xb1: {  	[dreg:$0x5] =	wrdreg $0x9  }
0xb2: {  	_ =	task.clear_ibuf [dreg:s7], $0x6FFFF;
	_ =	strace $0x90000049  }
0xb3: {  	s29 =	simm.s32 $0x9;
	_ =	strace $0x8000004B  }
0xb4: {  	_ =	swait.ge [sflag:s29], $0x1  }
0xb5: {  	[sflag:s29] =	ssyncadd.s32 $0xFFFFFFFF  }
0xb6: {  	_ =	strace $0x9000004B  }
0xb7: {  	_ =	sfence  }
0xb8: {  	s30 =	sld [smem:$0x0];
	_ =	sdelay $0x2  }
0xb9: {  	s31 =	sshll.u32 s1, $0xD;
	s1 =	sshrl.u32 s1, $0x2  }
0xba: {  	s3 =	sand.u32 $0x4000, s31;
	s1 =	sadd.s32 s1, s30  }
0xbb: {  	s0 =	sor.u32 s3, s0;
	s1 =	sshll.u32 s1, $0x11  }
0xbc: {  	s0 =	sor.u32 s1, s0  }
0xbd: {  	s0 =	sadd.s32 $0x8F2B, s0  }
0xbe: {  	[sflag:s0] =	ssyncadd.remote.s32 $0x1  }
0xbf: {  	_ =	sfence.sel $0xFFFF  }
0xc0: {  	[dreg:$0x0] =	wrdreg $0xFFFFFFFF;
	(pc) =	sbr.abs _section_cstart, $3  }
0xc1: {  	[dreg:$0x1] =	wrdreg $0xFFFFFFFF  }
0xc2: {  	_ =	task.clear_ibuf [dreg:s7], $0x2FFFF;
	_ =	strace $0x9FFFFFFF  }
0xc3: {  	(tm) =	ssettm $0x7FFFFFFF  }
tec
execute0_lowered:
.L_overlay_start_1:
0x0: {  	(tag) =	ssettag $0x1  }
0x1: {  	s5 =	rddreg [dreg:$0x0]  }
0x2: {  	s1 =	srdreg.scid;
	s6 =	rddreg [dreg:$0x1]  }
0x3: {  	s0 =	stileid.u32;
	s2 =	rddreg [dreg:$0x2];
	s3 =	simm.s32 $0x0  }
0x4: {  	s15 =	simm.s32 $0x5800;
	s16 =	simm.s32 $0x1;
	s17 =	simm.s32 $0x0  }
0x5: {  	s7 =	sand.u32 $0x1, s1;
	s1 =	rddreg [dreg:$0x3];
	s9 =	smul.u32 $0x14000, s0  }
0x6: {  	s28 =	sshll.u32 s0, $0x1;
	[smem:$0x7FF] =	sst s3;
	s29 =	smul.u32 $0x50000, s0  }
0x7: {  	s31 =	sshll.u32 s0, $0x6;
	s4 =	sor.u32 s7, s28;
	s10 =	smul.u32 $0x140000, s7  }
0x8: {  	_ =	strace $0x8000004A;
	s7 =	ssub.s32 $0x2, s7;
	s8 =	smul.u32 $0x580, s4  }
0x9: {  	s4 =	sadd.s32 $0xE400, s5;
	s12 =	sshrl.u32 s9, $0x3;
	s13 =	sshrl.u32 s7, $0x1  }
0xa: {  	s30 =	sshrl.u32 s29, $0x2;
	s9 =	sadd.s32 s9, s10;
	s12 =	sadd.s32 s12, s5  }
0xb: {  	s13 =	ssub.s32 s7, s13;
	s14 =	sadd.s32 s30, s2;
	s10 =	simm.s32 $0x2  }
0xc: {  	s11 =	sadd.s32 s8, s5;
	s9 =	sshrl.u32 s9, $0x3;
	s6 =	sadd.s32 s6, s8  }
0xd: {  	s7 =	sadd.s32 $0x36400, s12;
	s12 =	sor.u32 $0x1C02, s31;
	s9 =	sadd.s32 s9, s5  }
0xe: {  	s5 =	sadd.s32 $0x3400, s11;
	s11 =	simm.s32 $0x2C00;
	s8 =	sadd.s32 $0x5E400, s9  }
0xf: {  	s9 =	smax.u32 s13, $0x1;
	s13 =	sshrl.u32 s14, $0x3;
	s14 =	simm.s32 $0x80  }
.LBB2_1:
0x10: {  	[tilespmem:s3], [sflag:$0x2] =	stream.linear.gather [hbm4b:s5+s3], $0x2880, $0x38;
	[tilespmem:$0x1D800] =	vst v63  }
0x11: {  	_ =	swait.ge [sflag:s10], $0x2880  }
0x12: {  	[sflag:s10] =	ssyncset.done $0x0  }
0x13: {  	[sflag:s10] =	ssyncadd.s32 $0xFFFFD780  }
0x14: {  	[tilespmem:s11], [sflag:$0x2] =	stream.linear.gather [hbm4b:s6+s3], $0x2880, $0x38;
	[tilespmem:$0x1D800] =	vst v63  }
0x15: {  	_ =	swait.ge [sflag:s10], $0x2880  }
0x16: {  	[sflag:s10] =	ssyncset.done $0x0  }
0x17: {  	[sflag:s10] =	ssyncadd.s32 $0xFFFFD780  }
0x18: {  	[spmem:s13], [sflag:s12] =	dma.local [hbm:s7], $0x2800  }
0x19: {  	_ =	swait.ge [sflag:s10], $0x2800  }
0x1a: {  	[sflag:s10] =	ssyncset.done $0x0  }
0x1b: {  	[sflag:s10] =	ssyncadd.s32 $0xFFFFD800  }
0x1c: {  	s18 =	simm.s32 $0x0;
	[bflag:$0x0] =	sbarrier.arrive $0xFFFF  }
0x1d: {  	[tilespmem:s15], [sflag:$0x1] =	stream.indirect.gather [hbm4b:s4+s14], $0x80, s18, s14, $0xb8;
	[tilespmem:$0x1D800] =	vst v63  }
0x1e: {  	_ =	swait.ge [sflag:s16], $0x4000  }
0x1f: {  	[sflag:s16] =	ssyncset.done $0x0  }
0x20: {  	s31 =	simm.s32 $0x2C00;
	[sflag:s16] =	ssyncadd.s32 $0xFFFFC000  }
0x21: {  	[spmem:s2] =	stream.indirect.scatter.add.f32 [tilespmem:s15], [sflag:$0x2], $0x80, s31, s14, $0xb8;
	[tilespmem:$0x1D800] =	vst v63  }
0x22: {  	_ =	swait.ge [sflag:s10], $0x4000  }
0x23: {  	s19 =	simm.s32 $0x400;
	s18 =	simm.s32 $0x200;
	[sflag:s10] =	ssyncset.done $0x0  }
.LBB2_2:
0x24: {  	s20 =	sshra.s32 s18, $0x2  }
0x25: {  	[sflag:s10] =	ssyncadd.s32 $0xFFFFC000;
	s18 =	smov.u32 s19;
	s21 =	sadd.s32 $0x200, s19  }
0x26: {  	[tilespmem:s15], [sflag:$0x1] =	stream.indirect.gather [hbm4b:s4+s14], $0x80, s20, s14, $0xb8;
	[tilespmem:$0x1D800] =	vst v63  }
0x27: {  	p0 =	sne.s32 s19, $0xA000;
	_ =	swait.ge [sflag:s16], $0x4000  }
.Ltmp0:
0x28: {  	[sflag:s16] =	ssyncset.done $0x0;
	(pc) =	sbr.rel @p0 .LBB2_2-.Ltmp0, $4  }
0x29: {  	s19 =	sadd.s32 $0x2C00, s20;
	[sflag:s16] =	ssyncadd.s32 $0xFFFFC000  }
0x2a: {  	[spmem:s2] =	stream.indirect.scatter.add.f32 [tilespmem:s15], [sflag:$0x2], $0x80, s19, s14, $0xb8;
	[tilespmem:$0x1D800] =	vst v63  }
0x2b: {  	_ =	swait.ge [sflag:s10], $0x4000  }
0x2c: {  	s19 =	smov.u32 s21;
	[sflag:s10] =	ssyncset.done $0x0  }
0x2d: {  	s18 =	sshra.s32 s18, $0x2;
	[sflag:s10] =	ssyncadd.s32 $0xFFFFC000  }
0x2e: {  	[tilespmem:s15], [sflag:$0x1] =	stream.indirect.gather [hbm4b:s4+s14], $0x80, s18, s14, $0xb8;
	[tilespmem:$0x1D800] =	vst v63  }
0x2f: {  	_ =	swait.ge [sflag:s16], $0x4000  }
0x30: {  	[sflag:s16] =	ssyncset.done $0x0  }
0x31: {  	s18 =	sadd.s32 $0x2C00, s18;
	[sflag:s16] =	ssyncadd.s32 $0xFFFFC000  }
0x32: {  	[spmem:s2] =	stream.indirect.scatter.add.f32 [tilespmem:s15], [sflag:$0x2], $0x80, s18, s14, $0xb8;
	[tilespmem:$0x1D800] =	vst v63  }
0x33: {  	_ =	swait.ge [sflag:s10], $0x4000  }
0x34: {  	s17 =	sadd.s32 $0x1, s17;
	[sflag:s10] =	ssyncset.done $0x0  }
0x35: {  	p0 =	sne.s32 s17, s9;
	[sflag:s10] =	ssyncadd.s32 $0xFFFFC000  }
.Ltmp1:
0x36: {  	[bflag:$0x0] =	sbarrier.arrive $0xFFFF;
	(pc) =	sbr.rel @p0 .LBB2_1-.Ltmp1, $4  }
0x37: {  	[hbm:s8], [sflag:s12] =	dma.local [spmem:s13], $0x2800  }
0x38: {  	_ =	swait.ge [sflag:s10], $0x2800  }
0x39: {  	[sflag:s10] =	ssyncset.done $0x0  }
0x3a: {  	[sflag:s10] =	ssyncadd.s32 $0xFFFFD800  }
0x3b: {  	_ =	sfence.sel $0x180000  }
0x3c: {  	[bflag:$0x0] =	sbarrier.arrive $0xFFFF  }
0x3d: {  	p0 =	sne.s32 s0, $0x0;
	_ =	strace $0x9000004A  }
0x3e: {  	s0 =	sadd.s32 @!p0 $0x100000, s1;
	[bflag:$0x2] =	sbarrier.arrive $0xFFFF  }
0x3f: {  	[sflag:s0] =	ssyncadd.tile.s32 @!p0 $0x1;
	_ =	shalt  }
.Lfunc_end2:
_tile_overlayer_lowered:
.L_overlay_start_2:
0x40: {  	(tag) =	ssettag $0x2  }
0x41: {  	s0 =	rddreg [dreg:$0x0];
	s2 =	stileid.u32  }
0x42: {  	s1 =	rddreg [dreg:$0x1];
	p0 =	sne.s32 s2, $0x0  }
0x43: {  	s3 =	rddreg [dreg:$0x2];
	[bflag:$0x3] =	sbarrier.arrive $0xFFFF;
	s2 =	simm.s32 @!p0 $0x1C02  }
0x44: {  	[timem:s3], [sflag:s2] =	dma.local @!p0 [hbm:s0], s1  }
0x45: {  	s0 =	simm.s32 @!p0 $0x2  }
0x46: {  	_ =	swait.ge @!p0 [sflag:s0], s1  }
0x47: {  	s1 =	ssub.s32 @!p0 $0x0, s1;
	[sflag:s0] =	ssyncset.done @!p0 $0x0  }
0x48: {  	[sflag:s0] =	ssyncadd.s32 @!p0 s1  }
0x49: {  	[bflag:$0x3] =	sbarrier.arrive $0xFFFF  }
0x4a: {  	_ =	shalt  }

// kernel: kernel.17.cloned.1.call-start
scs
__scs_entry_jumppad:
0x0: {  	(pc) =	sbr.rel $0x88, $3  }
0x1: {  	(tag) =	ssettag $0x0;
	lr =	simm.s32 $0x1  }
0x2: {  	[smem:$0x3F9D] =	sst lr;
	_ =	strace $0xD0000000  }
0x3: {  	_ = 	snop  }
0x4: {  	_ = 	snop  }
0x5: {  	_ = 	snop  }
0x6: {  	_ = 	snop  }
0x7: {  	_ = 	snop  }
__scs_overlays_trampoline_lowered:
0x8: {  	[smem:$0x3FAC] =	sst s0  }
0x9: {  	[smem:$0x3FAD] =	sst s1  }
0xa: {  	[smem:$0x3FAE] =	sst s2  }
0xb: {  	[smem:$0x3FAF] =	sst s3  }
0xc: {  	[smem:$0x3FB0] =	sst s4  }
0xd: {  	[smem:$0x3FB1] =	sst s5  }
0xe: {  	[smem:$0x3FB2] =	sst s6  }
0xf: {  	[smem:$0x3FB3] =	sst s7  }
0x10: {  	[smem:$0x3FB4] =	sst s8  }
0x11: {  	[smem:$0x3FB5] =	sst s9;
	s0 =	simm.s32 @!p0 $0x0  }
0x12: {  	s1 =	sld [smem:$0x3F9B];
	s0 =	simm.s32 @p0 $0x1  }
0x13: {  	[smem:$0x3FB6] =	sst s0;
	s0 =	simm.s32 @!p1 $0x0  }
0x14: {  	s2 =	sld [smem:$0x3F9A];
	s0 =	simm.s32 @p1 $0x1  }
0x15: {  	[smem:$0x3FB7] =	sst s0;
	s0 =	simm.s32 @!p2 $0x0  }
0x16: {  	s3 =	sld [smem:$0x3FDB];
	s0 =	simm.s32 @p2 $0x1  }
0x17: {  	s4 =	simm.s32 $0x1BF5;
	[smem:$0x3FB9] =	sst s0  }
0x18: {  	s0 =	sld [smem:$0x3F9C];
	_ =	swait.ge [sflag:s4], $0x0  }
0x19: {  	s7 =	sld [smem:$0x3F9D]  }
0x1a: {  	s8 =	sadd.s32 $0xFFFFE003, lr  }
0x1b: {  	s9 =	sadd.s32 $0xFFFFFEF7, lr;
	s5 =	simm.s32 $0xFFFFFFFF;
	p2 =	slt.u32 s8, $0xFFFFF086  }
0x1c: {  	p1 =	slt.u32 s9, $0xF7A;
	s5 =	simm.s32 @!p2 $0x0  }
0x1d: {  	s5 =	simm.s32 @p1 $0x1;
	p0 =	seq.s32 s7, s2  }
0x1e: {  	s7 =	smul.u32 @!p0 $0xF7A, s2;
	p2 =	seq.s32 @!p0 s5, $0x0  }
0x1f: {  	s9 =	smul.u32 $0xF7A, s1;
	s8 =	simm.s32 @!p0 $0x1BF5;
	p2 =	por !p2, p0  }
0x20: {  	[sflag:s8] =	ssyncset.s32 @!p0 $0xFFFFF086;
	s6 =	sadd.s32 @!p0 s3, s7;
	s7 =	simm.s32 @!p0 $0x108  }
0x21: {  	s3 =	sadd.s32 s3, s9;
	s6 =	sadd.s32 @!p0 $0x88, s6;
	s7 =	simm.s32 @p2 $0x1082  }
0x22: {  	[simem:s7], [sflag:s8] =	dma.local @!p0 [hbm:s6], $0xF7A  }
0x23: {  	s9 =	sor.u32 $0xD0000000, s2;
	s6 =	simm.s32 $0x108;
	_ =	swait.ge @!p0 [sflag:s8], $0x0  }
0x24: {  	s3 =	sadd.s32 $0x88, s3;
	s6 =	simm.s32 @!p1 $0x1082;
	[sflag:s4] =	ssyncset.s32 $0xFFFFF086  }
0x25: {  	[simem:s6], [sflag:s4] =	dma.local [hbm:s3], $0xF7A  }
0x26: {  	[smem:$0x3F9D] =	sst s1;
	(tag) =	ssettag s2;
	_ =	strace s9  }
0x27: {  	s1 =	sld [smem:$0x3FAD]  }
0x28: {  	s2 =	sld [smem:$0x3FAE]  }
0x29: {  	s4 =	sld [smem:$0x3FB0]  }
0x2a: {  	p0 =	seq.s32 s5, $0x0;
	s5 =	sld [smem:$0x3FB1]  }
0x2b: {  	s6 =	sld [smem:$0x3FB2]  }
0x2c: {  	s7 =	sld [smem:$0x3FB3]  }
0x2d: {  	s3 =	simm.s32 $0x108;
	s8 =	sld [smem:$0x3FB4]  }
0x2e: {  	s3 =	simm.s32 @!p0 $0x1082;
	s9 =	sld [smem:$0x3FB5]  }
0x2f: {  	lr =	sadd.s32 s0, s3;
	s0 =	sld [smem:$0x3FAC]  }
0x30: {  	s3 =	sld [smem:$0x3FAF]  }
0x31: {  	[smem:$0x3FB8] =	sst s10  }
0x32: {  	s10 =	sld [smem:$0x3FB6];
	_ =	sdelay $0x3  }
0x33: {  	p0 =	seq.s32 s10, $0x1;
	s10 =	sld [smem:$0x3FB8];
	_ =	sdelay $0x3  }
0x34: {  	[smem:$0x3FB8] =	sst s10  }
0x35: {  	s10 =	sld [smem:$0x3FB7];
	_ =	sdelay $0x3  }
0x36: {  	p1 =	seq.s32 s10, $0x1;
	s10 =	sld [smem:$0x3FB8];
	_ =	sdelay $0x3  }
0x37: {  	[smem:$0x3FB8] =	sst s10  }
0x38: {  	s10 =	sld [smem:$0x3FB9]  }
0x39: {  	_ = 	snop;
	(pc) =	sbr.ind lr, $3  }
0x3a: {  	_ = 	snop  }
0x3b: {  	_ = 	snop  }
0x3c: {  	p2 =	seq.s32 s10, $0x1;
	s10 =	sld [smem:$0x3FB8]  }
0x3d: {  	_ =	shalt  }
0x3e: {  	_ =	shalt  }
0x3f: {  	_ =	shalt  }
0x40: {  	_ =	shalt  }
0x41: {  	_ =	shalt  }
0x42: {  	_ =	shalt  }
0x43: {  	_ =	shalt  }
0x44: {  	_ =	shalt  }
0x45: {  	_ =	shalt  }
0x46: {  	_ =	shalt  }
0x47: {  	_ =	shalt  }
0x48: {  	_ =	shalt  }
0x49: {  	_ =	shalt  }
0x4a: {  	_ =	shalt  }
0x4b: {  	_ =	shalt  }
0x4c: {  	_ =	shalt  }
0x4d: {  	_ =	shalt  }
0x4e: {  	_ =	shalt  }
0x4f: {  	_ =	shalt  }
0x50: {  	_ =	shalt  }
0x51: {  	_ =	shalt  }
0x52: {  	_ =	shalt  }
0x53: {  	_ =	shalt  }
0x54: {  	_ =	shalt  }
0x55: {  	_ =	shalt  }
0x56: {  	_ =	shalt  }
0x57: {  	_ =	shalt  }
0x58: {  	_ =	shalt  }
0x59: {  	_ =	shalt  }
0x5a: {  	_ =	shalt  }
0x5b: {  	_ =	shalt  }
0x5c: {  	_ =	shalt  }
0x5d: {  	_ =	shalt  }
0x5e: {  	_ =	shalt  }
0x5f: {  	_ =	shalt  }
0x60: {  	_ =	shalt  }
0x61: {  	_ =	shalt  }
0x62: {  	_ =	shalt  }
0x63: {  	_ =	shalt  }
0x64: {  	_ =	shalt  }
0x65: {  	_ =	shalt  }
0x66: {  	_ =	shalt  }
0x67: {  	_ =	shalt  }
0x68: {  	_ =	shalt  }
0x69: {  	_ =	shalt  }
0x6a: {  	_ =	shalt  }
0x6b: {  	_ =	shalt  }
0x6c: {  	_ =	shalt  }
0x6d: {  	_ =	shalt  }
0x6e: {  	_ =	shalt  }
0x6f: {  	_ =	shalt  }
0x70: {  	_ =	shalt  }
0x71: {  	_ =	shalt  }
0x72: {  	_ =	shalt  }
0x73: {  	_ =	shalt  }
0x74: {  	_ =	shalt  }
0x75: {  	_ =	shalt  }
0x76: {  	_ =	shalt  }
0x77: {  	_ =	shalt  }
0x78: {  	_ =	shalt  }
0x79: {  	_ =	shalt  }
0x7a: {  	_ =	shalt  }
0x7b: {  	_ =	shalt  }
0x7c: {  	_ =	shalt  }
0x7d: {  	_ =	shalt  }
0x7e: {  	_ =	shalt  }
0x7f: {  	_ =	shalt  }
0x80: {  	_ =	shalt  }
0x81: {  	_ =	shalt  }
0x82: {  	_ =	shalt  }
0x83: {  	_ =	shalt  }
0x84: {  	_ =	shalt  }
0x85: {  	_ =	shalt  }
0x86: {  	_ =	shalt  }
0x87: {  	_ =	shalt  }
.Lfunc_end0:
.L_simem_size_0:
called_computation.2_lowered:
.L_overlay_start_0:
0x88: {  	s2 =	sld [smem:$0x3FD9]  }
0x89: {  	s3 =	sld [smem:$0x3FFE];
	_ =	sdelay $0x1  }
0x8a: {  	s1 =	srdreg.scid  }
0x8b: {  	s0 =	sand.u32 $0x1, s1  }
0x8c: {  	s17 =	sshll.u32 s0, $0xA;
	s2 =	sadd.s32 s3, s2  }
0x8d: {  	s2 =	sadd.s32 s2, s17  }
0x8e: {  	[smem:$0x3FC4] =	sst s2  }
0x8f: {  	_ = 	snop  }
0x90: {  	s2 =	sld [smem:$0x3FD0];
	(tm) =	ssettm $0x1  }
0x91: {  	s18 =	sld [smem:$0x3FFB];
	_ =	sdelay $0x3  }
0x92: {  	_ =	strace s18  }
0x93: {  	s3 =	sld [smem:$0x3FFC];
	_ =	sdelay $0x3  }
0x94: {  	_ =	strace s3  }
0x95: {  	s3 =	sld [smem:$0x3FFD];
	_ =	sdelay $0x3  }
0x96: {  	_ =	strace s3  }
0x97: {  	_ =	strace $0x8FFFFFFF  }
0x98: {  	s19 =	sld [smem:$0x3FDB];
	_ =	sdelay $0x1  }
0x99: {  	s4 =	simm.s32 $_scs_section_size  }
0x9a: {  	s5 =	simm.s32 $_size__tile_overlayer_lowered;
	s6 =	simm.s32 $_tile_overlayer_lowered  }
0x9b: {  	s22 =	simm.s32 $0x1BFF;
	s21 =	sshll.u32 s6, $0x1;
	s3 =	sadd.s32 s4, s19  }
0x9c: {  	s7 =	simm.s32 $0x0;
	s20 =	sshll.u32 s5, $0x1;
	s5 =	sadd.s32 s21, s3  }
0x9d: {  	[timem:s7], [sflag:s22] =	dma.local [hbm:s5], s20  }
0x9e: {  	_ =	swait.ge [sflag:s22], s20  }
0x9f: {  	s4 =	ssub.s32 $0x0, s20;
	[sflag:s22] =	ssyncset.done $0x0  }
0xa0: {  	[sflag:s22] =	ssyncadd.s32 s4;
	_ =	sdelay $0x1  }
0xa1: {  	s23 =	simm.s32 $0x1B8B  }
0xa2: {  	_ =	swait.ge [sflag:s23], $0x1  }
0xa3: {  	[sflag:s23] =	ssyncset.done $0x0  }
0xa4: {  	s25 =	simm.s32 $0x1B8E;
	s24 =	sld [smem:$0x3FFE];
	[sflag:s23] =	ssyncadd.s32 $0xFFFFFFFF  }
0xa5: {  	s26 =	simm.s32 $execute0_lowered;
	[smem:$0x3FD2] =	sst s25  }
0xa6: {  	s5 =	sshll.u32 s26, $0x1;
	_ =	strace $0x8000004C;
	[dreg:$0x1] =	wrdreg $0xFFFFFFFF  }
0xa7: {  	s28 =	simm.s32 $_size_execute0_lowered;
	s3 =	sadd.s32 s3, s5;
	[dreg:$0x0] =	wrdreg $0x0  }
0xa8: {  	s5 =	sshll.u32 s28, $0x1;
	[dreg:$0x2] =	wrdreg s3  }
0xa9: {  	[dreg:$0x3] =	wrdreg s5  }
0xaa: {  	[dreg:$0x4] =	wrdreg $0xC0  }
0xab: {  	_ =	task [dreg:s7], $0x5FFFF  }
0xac: {  	[dreg:$0x1] =	wrdreg $0xFFFFFFFF  }
0xad: {  	[dreg:$0x0] =	wrdreg $0x60  }
0xae: {  	[dreg:$0x2] =	wrdreg s24  }
0xaf: {  	[dreg:$0x3] =	wrdreg s2  }
0xb0: {  	[dreg:$0x4] =	wrdreg $0x98000  }
0xb1: {  	[dreg:$0x5] =	wrdreg $0x9  }
0xb2: {  	_ =	task.clear_ibuf [dreg:s7], $0x6FFFF;
	_ =	strace $0x9000004C  }
0xb3: {  	s29 =	simm.s32 $0x9;
	_ =	strace $0x8000004E  }
0xb4: {  	_ =	swait.ge [sflag:s29], $0x1  }
0xb5: {  	[sflag:s29] =	ssyncadd.s32 $0xFFFFFFFF  }
0xb6: {  	_ =	strace $0x9000004E  }
0xb7: {  	_ =	sfence  }
0xb8: {  	s30 =	sld [smem:$0x0];
	_ =	sdelay $0x2  }
0xb9: {  	s31 =	sshll.u32 s1, $0xD;
	s1 =	sshrl.u32 s1, $0x2  }
0xba: {  	s3 =	sand.u32 $0x4000, s31;
	s1 =	sadd.s32 s1, s30  }
0xbb: {  	s0 =	sor.u32 s3, s0;
	s1 =	sshll.u32 s1, $0x11  }
0xbc: {  	s0 =	sor.u32 s1, s0  }
0xbd: {  	s0 =	sadd.s32 $0x8F2B, s0  }
0xbe: {  	[sflag:s0] =	ssyncadd.remote.s32 $0x1  }
0xbf: {  	_ =	sfence.sel $0xFFFF  }
0xc0: {  	[dreg:$0x0] =	wrdreg $0xFFFFFFFF;
	(pc) =	sbr.abs _section_cstart, $3  }
0xc1: {  	[dreg:$0x1] =	wrdreg $0xFFFFFFFF  }
0xc2: {  	_ =	task.clear_ibuf [dreg:s7], $0x2FFFF;
	_ =	strace $0x9FFFFFFF  }
0xc3: {  	(tm) =	ssettm $0x7FFFFFFF  }
tec
execute0_lowered:
.L_overlay_start_1:
0x0: {  	(tag) =	ssettag $0x1  }
0x1: {  	s5 =	rddreg [dreg:$0x0]  }
0x2: {  	s1 =	srdreg.scid;
	s6 =	rddreg [dreg:$0x1]  }
0x3: {  	s0 =	stileid.u32;
	s2 =	rddreg [dreg:$0x2];
	s3 =	simm.s32 $0x0  }
0x4: {  	s15 =	simm.s32 $0x5800;
	s16 =	simm.s32 $0x1;
	s17 =	simm.s32 $0x0  }
0x5: {  	s7 =	sand.u32 $0x1, s1;
	s1 =	rddreg [dreg:$0x3];
	s9 =	smul.u32 $0x14000, s0  }
0x6: {  	s28 =	sshll.u32 s0, $0x1;
	[smem:$0x7FF] =	sst s3;
	s29 =	smul.u32 $0x50000, s0  }
0x7: {  	s31 =	sshll.u32 s0, $0x6;
	s4 =	sor.u32 s7, s28;
	s10 =	smul.u32 $0x140000, s7  }
0x8: {  	_ =	strace $0x8000004D;
	s7 =	ssub.s32 $0x2, s7;
	s8 =	smul.u32 $0x580, s4  }
0x9: {  	s4 =	sadd.s32 $0xE400, s5;
	s12 =	sshrl.u32 s9, $0x3;
	s13 =	sshrl.u32 s7, $0x1  }
0xa: {  	s30 =	sshrl.u32 s29, $0x2;
	s9 =	sadd.s32 s9, s10;
	s12 =	sadd.s32 s12, s5  }
0xb: {  	s13 =	ssub.s32 s7, s13;
	s14 =	sadd.s32 s30, s2;
	s10 =	simm.s32 $0x2  }
0xc: {  	s11 =	sadd.s32 s8, s5;
	s9 =	sshrl.u32 s9, $0x3;
	s6 =	sadd.s32 s6, s8  }
0xd: {  	s7 =	sadd.s32 $0x36400, s12;
	s12 =	sor.u32 $0x1C02, s31;
	s9 =	sadd.s32 s9, s5  }
0xe: {  	s5 =	sadd.s32 $0x3400, s11;
	s11 =	simm.s32 $0x2C00;
	s8 =	sadd.s32 $0x5E400, s9  }
0xf: {  	s9 =	smax.u32 s13, $0x1;
	s13 =	sshrl.u32 s14, $0x3;
	s14 =	simm.s32 $0x80  }
.LBB2_1:
0x10: {  	[tilespmem:s3], [sflag:$0x2] =	stream.linear.gather [hbm4b:s5+s3], $0x2880, $0x38;
	[tilespmem:$0x1D800] =	vst v63  }
0x11: {  	_ =	swait.ge [sflag:s10], $0x2880  }
0x12: {  	[sflag:s10] =	ssyncset.done $0x0  }
0x13: {  	[sflag:s10] =	ssyncadd.s32 $0xFFFFD780  }
0x14: {  	[tilespmem:s11], [sflag:$0x2] =	stream.linear.gather [hbm4b:s6+s3], $0x2880, $0x38;
	[tilespmem:$0x1D800] =	vst v63  }
0x15: {  	_ =	swait.ge [sflag:s10], $0x2880  }
0x16: {  	[sflag:s10] =	ssyncset.done $0x0  }
0x17: {  	[sflag:s10] =	ssyncadd.s32 $0xFFFFD780  }
0x18: {  	[spmem:s13], [sflag:s12] =	dma.local [hbm:s7], $0x2800  }
0x19: {  	_ =	swait.ge [sflag:s10], $0x2800  }
0x1a: {  	[sflag:s10] =	ssyncset.done $0x0  }
0x1b: {  	[sflag:s10] =	ssyncadd.s32 $0xFFFFD800  }
0x1c: {  	s18 =	simm.s32 $0x0;
	[bflag:$0x0] =	sbarrier.arrive $0xFFFF  }
0x1d: {  	[tilespmem:s15], [sflag:$0x1] =	stream.indirect.gather [hbm4b:s4+s14], $0x80, s18, s14, $0xb8;
	[tilespmem:$0x1D800] =	vst v63  }
0x1e: {  	_ =	swait.ge [sflag:s16], $0x4000  }
0x1f: {  	[sflag:s16] =	ssyncset.done $0x0  }
0x20: {  	s31 =	simm.s32 $0x2C00;
	[sflag:s16] =	ssyncadd.s32 $0xFFFFC000  }
0x21: {  	[spmem:s2] =	stream.indirect.scatter.add.f32 [tilespmem:s15], [sflag:$0x2], $0x80, s31, s14, $0xb8;
	[tilespmem:$0x1D800] =	vst v63  }
0x22: {  	_ =	swait.ge [sflag:s10], $0x4000  }
0x23: {  	s19 =	simm.s32 $0x400;
	s18 =	simm.s32 $0x200;
	[sflag:s10] =	ssyncset.done $0x0  }
.LBB2_2:
0x24: {  	s20 =	sshra.s32 s18, $0x2  }
0x25: {  	[sflag:s10] =	ssyncadd.s32 $0xFFFFC000;
	s18 =	smov.u32 s19;
	s21 =	sadd.s32 $0x200, s19  }
0x26: {  	[tilespmem:s15], [sflag:$0x1] =	stream.indirect.gather [hbm4b:s4+s14], $0x80, s20, s14, $0xb8;
	[tilespmem:$0x1D800] =	vst v63  }
0x27: {  	p0 =	sne.s32 s19, $0xA000;
	_ =	swait.ge [sflag:s16], $0x4000  }
.Ltmp0:
0x28: {  	[sflag:s16] =	ssyncset.done $0x0;
	(pc) =	sbr.rel @p0 .LBB2_2-.Ltmp0, $4  }
0x29: {  	s19 =	sadd.s32 $0x2C00, s20;
	[sflag:s16] =	ssyncadd.s32 $0xFFFFC000  }
0x2a: {  	[spmem:s2] =	stream.indirect.scatter.add.f32 [tilespmem:s15], [sflag:$0x2], $0x80, s19, s14, $0xb8;
	[tilespmem:$0x1D800] =	vst v63  }
0x2b: {  	_ =	swait.ge [sflag:s10], $0x4000  }
0x2c: {  	s19 =	smov.u32 s21;
	[sflag:s10] =	ssyncset.done $0x0  }
0x2d: {  	s18 =	sshra.s32 s18, $0x2;
	[sflag:s10] =	ssyncadd.s32 $0xFFFFC000  }
0x2e: {  	[tilespmem:s15], [sflag:$0x1] =	stream.indirect.gather [hbm4b:s4+s14], $0x80, s18, s14, $0xb8;
	[tilespmem:$0x1D800] =	vst v63  }
0x2f: {  	_ =	swait.ge [sflag:s16], $0x4000  }
0x30: {  	[sflag:s16] =	ssyncset.done $0x0  }
0x31: {  	s18 =	sadd.s32 $0x2C00, s18;
	[sflag:s16] =	ssyncadd.s32 $0xFFFFC000  }
0x32: {  	[spmem:s2] =	stream.indirect.scatter.add.f32 [tilespmem:s15], [sflag:$0x2], $0x80, s18, s14, $0xb8;
	[tilespmem:$0x1D800] =	vst v63  }
0x33: {  	_ =	swait.ge [sflag:s10], $0x4000  }
0x34: {  	s17 =	sadd.s32 $0x1, s17;
	[sflag:s10] =	ssyncset.done $0x0  }
0x35: {  	p0 =	sne.s32 s17, s9;
	[sflag:s10] =	ssyncadd.s32 $0xFFFFC000  }
.Ltmp1:
0x36: {  	[bflag:$0x0] =	sbarrier.arrive $0xFFFF;
	(pc) =	sbr.rel @p0 .LBB2_1-.Ltmp1, $4  }
0x37: {  	[hbm:s8], [sflag:s12] =	dma.local [spmem:s13], $0x2800  }
0x38: {  	_ =	swait.ge [sflag:s10], $0x2800  }
0x39: {  	[sflag:s10] =	ssyncset.done $0x0  }
0x3a: {  	[sflag:s10] =	ssyncadd.s32 $0xFFFFD800  }
0x3b: {  	_ =	sfence.sel $0x180000  }
0x3c: {  	[bflag:$0x0] =	sbarrier.arrive $0xFFFF  }
0x3d: {  	p0 =	sne.s32 s0, $0x0;
	_ =	strace $0x9000004D  }
0x3e: {  	s0 =	sadd.s32 @!p0 $0x100000, s1;
	[bflag:$0x2] =	sbarrier.arrive $0xFFFF  }
0x3f: {  	[sflag:s0] =	ssyncadd.tile.s32 @!p0 $0x1;
	_ =	shalt  }
.Lfunc_end2:
_tile_overlayer_lowered:
.L_overlay_start_2:
0x40: {  	(tag) =	ssettag $0x2  }
0x41: {  	s0 =	rddreg [dreg:$0x0];
	s2 =	stileid.u32  }
0x42: {  	s1 =	rddreg [dreg:$0x1];
	p0 =	sne.s32 s2, $0x0  }
0x43: {  	s3 =	rddreg [dreg:$0x2];
	[bflag:$0x3] =	sbarrier.arrive $0xFFFF;
	s2 =	simm.s32 @!p0 $0x1C02  }
0x44: {  	[timem:s3], [sflag:s2] =	dma.local @!p0 [hbm:s0], s1  }
0x45: {  	s0 =	simm.s32 @!p0 $0x2  }
0x46: {  	_ =	swait.ge @!p0 [sflag:s0], s1  }
0x47: {  	s1 =	ssub.s32 @!p0 $0x0, s1;
	[sflag:s0] =	ssyncset.done @!p0 $0x0  }
0x48: {  	[sflag:s0] =	ssyncadd.s32 @!p0 s1  }
0x49: {  	[bflag:$0x3] =	sbarrier.arrive $0xFFFF  }
0x4a: {  	_ =	shalt  }

// kernel: kernel.20.cloned.1.call-start
scs
__scs_entry_jumppad:
0x0: {  	(pc) =	sbr.rel $0x88, $3  }
0x1: {  	(tag) =	ssettag $0x0;
	lr =	simm.s32 $0x1  }
0x2: {  	[smem:$0x3F9D] =	sst lr;
	_ =	strace $0xD0000000  }
0x3: {  	_ = 	snop  }
0x4: {  	_ = 	snop  }
0x5: {  	_ = 	snop  }
0x6: {  	_ = 	snop  }
0x7: {  	_ = 	snop  }
__scs_overlays_trampoline_lowered:
0x8: {  	[smem:$0x3FAC] =	sst s0  }
0x9: {  	[smem:$0x3FAD] =	sst s1  }
0xa: {  	[smem:$0x3FAE] =	sst s2  }
0xb: {  	[smem:$0x3FAF] =	sst s3  }
0xc: {  	[smem:$0x3FB0] =	sst s4  }
0xd: {  	[smem:$0x3FB1] =	sst s5  }
0xe: {  	[smem:$0x3FB2] =	sst s6  }
0xf: {  	[smem:$0x3FB3] =	sst s7  }
0x10: {  	[smem:$0x3FB4] =	sst s8  }
0x11: {  	[smem:$0x3FB5] =	sst s9;
	s0 =	simm.s32 @!p0 $0x0  }
0x12: {  	s1 =	sld [smem:$0x3F9B];
	s0 =	simm.s32 @p0 $0x1  }
0x13: {  	[smem:$0x3FB6] =	sst s0;
	s0 =	simm.s32 @!p1 $0x0  }
0x14: {  	s2 =	sld [smem:$0x3F9A];
	s0 =	simm.s32 @p1 $0x1  }
0x15: {  	[smem:$0x3FB7] =	sst s0;
	s0 =	simm.s32 @!p2 $0x0  }
0x16: {  	s3 =	sld [smem:$0x3FDB];
	s0 =	simm.s32 @p2 $0x1  }
0x17: {  	s4 =	simm.s32 $0x1BF5;
	[smem:$0x3FB9] =	sst s0  }
0x18: {  	s0 =	sld [smem:$0x3F9C];
	_ =	swait.ge [sflag:s4], $0x0  }
0x19: {  	s7 =	sld [smem:$0x3F9D]  }
0x1a: {  	s8 =	sadd.s32 $0xFFFFE003, lr  }
0x1b: {  	s9 =	sadd.s32 $0xFFFFFEF7, lr;
	s5 =	simm.s32 $0xFFFFFFFF;
	p2 =	slt.u32 s8, $0xFFFFF086  }
0x1c: {  	p1 =	slt.u32 s9, $0xF7A;
	s5 =	simm.s32 @!p2 $0x0  }
0x1d: {  	s5 =	simm.s32 @p1 $0x1;
	p0 =	seq.s32 s7, s2  }
0x1e: {  	s7 =	smul.u32 @!p0 $0xF7A, s2;
	p2 =	seq.s32 @!p0 s5, $0x0  }
0x1f: {  	s9 =	smul.u32 $0xF7A, s1;
	s8 =	simm.s32 @!p0 $0x1BF5;
	p2 =	por !p2, p0  }
0x20: {  	[sflag:s8] =	ssyncset.s32 @!p0 $0xFFFFF086;
	s6 =	sadd.s32 @!p0 s3, s7;
	s7 =	simm.s32 @!p0 $0x108  }
0x21: {  	s3 =	sadd.s32 s3, s9;
	s6 =	sadd.s32 @!p0 $0x88, s6;
	s7 =	simm.s32 @p2 $0x1082  }
0x22: {  	[simem:s7], [sflag:s8] =	dma.local @!p0 [hbm:s6], $0xF7A  }
0x23: {  	s9 =	sor.u32 $0xD0000000, s2;
	s6 =	simm.s32 $0x108;
	_ =	swait.ge @!p0 [sflag:s8], $0x0  }
0x24: {  	s3 =	sadd.s32 $0x88, s3;
	s6 =	simm.s32 @!p1 $0x1082;
	[sflag:s4] =	ssyncset.s32 $0xFFFFF086  }
0x25: {  	[simem:s6], [sflag:s4] =	dma.local [hbm:s3], $0xF7A  }
0x26: {  	[smem:$0x3F9D] =	sst s1;
	(tag) =	ssettag s2;
	_ =	strace s9  }
0x27: {  	s1 =	sld [smem:$0x3FAD]  }
0x28: {  	s2 =	sld [smem:$0x3FAE]  }
0x29: {  	s4 =	sld [smem:$0x3FB0]  }
0x2a: {  	p0 =	seq.s32 s5, $0x0;
	s5 =	sld [smem:$0x3FB1]  }
0x2b: {  	s6 =	sld [smem:$0x3FB2]  }
0x2c: {  	s7 =	sld [smem:$0x3FB3]  }
0x2d: {  	s3 =	simm.s32 $0x108;
	s8 =	sld [smem:$0x3FB4]  }
0x2e: {  	s3 =	simm.s32 @!p0 $0x1082;
	s9 =	sld [smem:$0x3FB5]  }
0x2f: {  	lr =	sadd.s32 s0, s3;
	s0 =	sld [smem:$0x3FAC]  }
0x30: {  	s3 =	sld [smem:$0x3FAF]  }
0x31: {  	[smem:$0x3FB8] =	sst s10  }
0x32: {  	s10 =	sld [smem:$0x3FB6];
	_ =	sdelay $0x3  }
0x33: {  	p0 =	seq.s32 s10, $0x1;
	s10 =	sld [smem:$0x3FB8];
	_ =	sdelay $0x3  }
0x34: {  	[smem:$0x3FB8] =	sst s10  }
0x35: {  	s10 =	sld [smem:$0x3FB7];
	_ =	sdelay $0x3  }
0x36: {  	p1 =	seq.s32 s10, $0x1;
	s10 =	sld [smem:$0x3FB8];
	_ =	sdelay $0x3  }
0x37: {  	[smem:$0x3FB8] =	sst s10  }
0x38: {  	s10 =	sld [smem:$0x3FB9]  }
0x39: {  	_ = 	snop;
	(pc) =	sbr.ind lr, $3  }
0x3a: {  	_ = 	snop  }
0x3b: {  	_ = 	snop  }
0x3c: {  	p2 =	seq.s32 s10, $0x1;
	s10 =	sld [smem:$0x3FB8]  }
0x3d: {  	_ =	shalt  }
0x3e: {  	_ =	shalt  }
0x3f: {  	_ =	shalt  }
0x40: {  	_ =	shalt  }
0x41: {  	_ =	shalt  }
0x42: {  	_ =	shalt  }
0x43: {  	_ =	shalt  }
0x44: {  	_ =	shalt  }
0x45: {  	_ =	shalt  }
0x46: {  	_ =	shalt  }
0x47: {  	_ =	shalt  }
0x48: {  	_ =	shalt  }
0x49: {  	_ =	shalt  }
0x4a: {  	_ =	shalt  }
0x4b: {  	_ =	shalt  }
0x4c: {  	_ =	shalt  }
0x4d: {  	_ =	shalt  }
0x4e: {  	_ =	shalt  }
0x4f: {  	_ =	shalt  }
0x50: {  	_ =	shalt  }
0x51: {  	_ =	shalt  }
0x52: {  	_ =	shalt  }
0x53: {  	_ =	shalt  }
0x54: {  	_ =	shalt  }
0x55: {  	_ =	shalt  }
0x56: {  	_ =	shalt  }
0x57: {  	_ =	shalt  }
0x58: {  	_ =	shalt  }
0x59: {  	_ =	shalt  }
0x5a: {  	_ =	shalt  }
0x5b: {  	_ =	shalt  }
0x5c: {  	_ =	shalt  }
0x5d: {  	_ =	shalt  }
0x5e: {  	_ =	shalt  }
0x5f: {  	_ =	shalt  }
0x60: {  	_ =	shalt  }
0x61: {  	_ =	shalt  }
0x62: {  	_ =	shalt  }
0x63: {  	_ =	shalt  }
0x64: {  	_ =	shalt  }
0x65: {  	_ =	shalt  }
0x66: {  	_ =	shalt  }
0x67: {  	_ =	shalt  }
0x68: {  	_ =	shalt  }
0x69: {  	_ =	shalt  }
0x6a: {  	_ =	shalt  }
0x6b: {  	_ =	shalt  }
0x6c: {  	_ =	shalt  }
0x6d: {  	_ =	shalt  }
0x6e: {  	_ =	shalt  }
0x6f: {  	_ =	shalt  }
0x70: {  	_ =	shalt  }
0x71: {  	_ =	shalt  }
0x72: {  	_ =	shalt  }
0x73: {  	_ =	shalt  }
0x74: {  	_ =	shalt  }
0x75: {  	_ =	shalt  }
0x76: {  	_ =	shalt  }
0x77: {  	_ =	shalt  }
0x78: {  	_ =	shalt  }
0x79: {  	_ =	shalt  }
0x7a: {  	_ =	shalt  }
0x7b: {  	_ =	shalt  }
0x7c: {  	_ =	shalt  }
0x7d: {  	_ =	shalt  }
0x7e: {  	_ =	shalt  }
0x7f: {  	_ =	shalt  }
0x80: {  	_ =	shalt  }
0x81: {  	_ =	shalt  }
0x82: {  	_ =	shalt  }
0x83: {  	_ =	shalt  }
0x84: {  	_ =	shalt  }
0x85: {  	_ =	shalt  }
0x86: {  	_ =	shalt  }
0x87: {  	_ =	shalt  }
.Lfunc_end0:
.L_simem_size_0:
called_computation.3_lowered:
.L_overlay_start_0:
0x88: {  	s2 =	sld [smem:$0x3FD9]  }
0x89: {  	s3 =	sld [smem:$0x3FFE];
	_ =	sdelay $0x1  }
0x8a: {  	s1 =	srdreg.scid  }
0x8b: {  	s0 =	sand.u32 $0x1, s1  }
0x8c: {  	s17 =	sshll.u32 s0, $0xA;
	s2 =	sadd.s32 s3, s2  }
0x8d: {  	s2 =	sadd.s32 s2, s17  }
0x8e: {  	[smem:$0x3FC4] =	sst s2  }
0x8f: {  	_ = 	snop  }
0x90: {  	s2 =	sld [smem:$0x3FD0];
	(tm) =	ssettm $0x1  }
0x91: {  	s18 =	sld [smem:$0x3FFB];
	_ =	sdelay $0x3  }
0x92: {  	_ =	strace s18  }
0x93: {  	s3 =	sld [smem:$0x3FFC];
	_ =	sdelay $0x3  }
0x94: {  	_ =	strace s3  }
0x95: {  	s3 =	sld [smem:$0x3FFD];
	_ =	sdelay $0x3  }
0x96: {  	_ =	strace s3  }
0x97: {  	_ =	strace $0x8FFFFFFF  }
0x98: {  	s19 =	sld [smem:$0x3FDB];
	_ =	sdelay $0x1  }
0x99: {  	s4 =	simm.s32 $_scs_section_size  }
0x9a: {  	s5 =	simm.s32 $_size__tile_overlayer_lowered;
	s6 =	simm.s32 $_tile_overlayer_lowered  }
0x9b: {  	s22 =	simm.s32 $0x1BFF;
	s21 =	sshll.u32 s6, $0x1;
	s3 =	sadd.s32 s4, s19  }
0x9c: {  	s7 =	simm.s32 $0x0;
	s20 =	sshll.u32 s5, $0x1;
	s5 =	sadd.s32 s21, s3  }
0x9d: {  	[timem:s7], [sflag:s22] =	dma.local [hbm:s5], s20  }
0x9e: {  	_ =	swait.ge [sflag:s22], s20  }
0x9f: {  	s4 =	ssub.s32 $0x0, s20;
	[sflag:s22] =	ssyncset.done $0x0  }
0xa0: {  	[sflag:s22] =	ssyncadd.s32 s4;
	_ =	sdelay $0x1  }
0xa1: {  	s23 =	simm.s32 $0x1B8B  }
0xa2: {  	_ =	swait.ge [sflag:s23], $0x1  }
0xa3: {  	[sflag:s23] =	ssyncset.done $0x0  }
0xa4: {  	s25 =	simm.s32 $0x1B8E;
	s24 =	sld [smem:$0x3FFE];
	[sflag:s23] =	ssyncadd.s32 $0xFFFFFFFF  }
0xa5: {  	s26 =	simm.s32 $execute0_lowered;
	[smem:$0x3FD2] =	sst s25  }
0xa6: {  	s5 =	sshll.u32 s26, $0x1;
	_ =	strace $0x8000004F;
	[dreg:$0x1] =	wrdreg $0xFFFFFFFF  }
0xa7: {  	s28 =	simm.s32 $_size_execute0_lowered;
	s3 =	sadd.s32 s3, s5;
	[dreg:$0x0] =	wrdreg $0x0  }
0xa8: {  	s5 =	sshll.u32 s28, $0x1;
	[dreg:$0x2] =	wrdreg s3  }
0xa9: {  	[dreg:$0x3] =	wrdreg s5  }
0xaa: {  	[dreg:$0x4] =	wrdreg $0xC0  }
0xab: {  	_ =	task [dreg:s7], $0x5FFFF  }
0xac: {  	[dreg:$0x1] =	wrdreg $0xFFFFFFFF  }
0xad: {  	[dreg:$0x0] =	wrdreg $0x60  }
0xae: {  	[dreg:$0x2] =	wrdreg s24  }
0xaf: {  	[dreg:$0x3] =	wrdreg s2  }
0xb0: {  	[dreg:$0x4] =	wrdreg $0x98000  }
0xb1: {  	[dreg:$0x5] =	wrdreg $0x9  }
0xb2: {  	_ =	task.clear_ibuf [dreg:s7], $0x6FFFF;
	_ =	strace $0x9000004F  }
0xb3: {  	s29 =	simm.s32 $0x9;
	_ =	strace $0x80000051  }
0xb4: {  	_ =	swait.ge [sflag:s29], $0x1  }
0xb5: {  	[sflag:s29] =	ssyncadd.s32 $0xFFFFFFFF  }
0xb6: {  	_ =	strace $0x90000051  }
0xb7: {  	_ =	sfence  }
0xb8: {  	s30 =	sld [smem:$0x0];
	_ =	sdelay $0x2  }
0xb9: {  	s31 =	sshll.u32 s1, $0xD;
	s1 =	sshrl.u32 s1, $0x2  }
0xba: {  	s3 =	sand.u32 $0x4000, s31;
	s1 =	sadd.s32 s1, s30  }
0xbb: {  	s0 =	sor.u32 s3, s0;
	s1 =	sshll.u32 s1, $0x11  }
0xbc: {  	s0 =	sor.u32 s1, s0  }
0xbd: {  	s0 =	sadd.s32 $0x8F2B, s0  }
0xbe: {  	[sflag:s0] =	ssyncadd.remote.s32 $0x1  }
0xbf: {  	_ =	sfence.sel $0xFFFF  }
0xc0: {  	[dreg:$0x0] =	wrdreg $0xFFFFFFFF;
	(pc) =	sbr.abs _section_cstart, $3  }
0xc1: {  	[dreg:$0x1] =	wrdreg $0xFFFFFFFF  }
0xc2: {  	_ =	task.clear_ibuf [dreg:s7], $0x2FFFF;
	_ =	strace $0x9FFFFFFF  }
0xc3: {  	(tm) =	ssettm $0x7FFFFFFF  }
tec
execute0_lowered:
.L_overlay_start_1:
0x0: {  	(tag) =	ssettag $0x1  }
0x1: {  	s5 =	rddreg [dreg:$0x0]  }
0x2: {  	s1 =	srdreg.scid;
	s6 =	rddreg [dreg:$0x1]  }
0x3: {  	s0 =	stileid.u32;
	s2 =	rddreg [dreg:$0x2];
	s3 =	simm.s32 $0x0  }
0x4: {  	s15 =	simm.s32 $0x5800;
	s16 =	simm.s32 $0x1;
	s17 =	simm.s32 $0x0  }
0x5: {  	s7 =	sand.u32 $0x1, s1;
	s1 =	rddreg [dreg:$0x3];
	s9 =	smul.u32 $0x14000, s0  }
0x6: {  	s28 =	sshll.u32 s0, $0x1;
	[smem:$0x7FF] =	sst s3;
	s29 =	smul.u32 $0x50000, s0  }
0x7: {  	s31 =	sshll.u32 s0, $0x6;
	s4 =	sor.u32 s7, s28;
	s10 =	smul.u32 $0x140000, s7  }
0x8: {  	_ =	strace $0x80000050;
	s7 =	ssub.s32 $0x2, s7;
	s8 =	smul.u32 $0x580, s4  }
0x9: {  	s4 =	sadd.s32 $0xE400, s5;
	s12 =	sshrl.u32 s9, $0x3;
	s13 =	sshrl.u32 s7, $0x1  }
0xa: {  	s30 =	sshrl.u32 s29, $0x2;
	s9 =	sadd.s32 s9, s10;
	s12 =	sadd.s32 s12, s5  }
0xb: {  	s13 =	ssub.s32 s7, s13;
	s14 =	sadd.s32 s30, s2;
	s10 =	simm.s32 $0x2  }
0xc: {  	s11 =	sadd.s32 s8, s5;
	s9 =	sshrl.u32 s9, $0x3;
	s6 =	sadd.s32 s6, s8  }
0xd: {  	s7 =	sadd.s32 $0x36400, s12;
	s12 =	sor.u32 $0x1C02, s31;
	s9 =	sadd.s32 s9, s5  }
0xe: {  	s5 =	sadd.s32 $0x3400, s11;
	s11 =	simm.s32 $0x2C00;
	s8 =	sadd.s32 $0x5E400, s9  }
0xf: {  	s9 =	smax.u32 s13, $0x1;
	s13 =	sshrl.u32 s14, $0x3;
	s14 =	simm.s32 $0x80  }
.LBB2_1:
0x10: {  	[tilespmem:s3], [sflag:$0x2] =	stream.linear.gather [hbm4b:s5+s3], $0x2880, $0x38;
	[tilespmem:$0x1D800] =	vst v63  }
0x11: {  	_ =	swait.ge [sflag:s10], $0x2880  }
0x12: {  	[sflag:s10] =	ssyncset.done $0x0  }
0x13: {  	[sflag:s10] =	ssyncadd.s32 $0xFFFFD780  }
0x14: {  	[tilespmem:s11], [sflag:$0x2] =	stream.linear.gather [hbm4b:s6+s3], $0x2880, $0x38;
	[tilespmem:$0x1D800] =	vst v63  }
0x15: {  	_ =	swait.ge [sflag:s10], $0x2880  }
0x16: {  	[sflag:s10] =	ssyncset.done $0x0  }
0x17: {  	[sflag:s10] =	ssyncadd.s32 $0xFFFFD780  }
0x18: {  	[spmem:s13], [sflag:s12] =	dma.local [hbm:s7], $0x2800  }
0x19: {  	_ =	swait.ge [sflag:s10], $0x2800  }
0x1a: {  	[sflag:s10] =	ssyncset.done $0x0  }
0x1b: {  	[sflag:s10] =	ssyncadd.s32 $0xFFFFD800  }
0x1c: {  	s18 =	simm.s32 $0x0;
	[bflag:$0x0] =	sbarrier.arrive $0xFFFF  }
0x1d: {  	[tilespmem:s15], [sflag:$0x1] =	stream.indirect.gather [hbm4b:s4+s14], $0x80, s18, s14, $0xb8;
	[tilespmem:$0x1D800] =	vst v63  }
0x1e: {  	_ =	swait.ge [sflag:s16], $0x4000  }
0x1f: {  	[sflag:s16] =	ssyncset.done $0x0  }
0x20: {  	s31 =	simm.s32 $0x2C00;
	[sflag:s16] =	ssyncadd.s32 $0xFFFFC000  }
0x21: {  	[spmem:s2] =	stream.indirect.scatter.add.f32 [tilespmem:s15], [sflag:$0x2], $0x80, s31, s14, $0xb8;
	[tilespmem:$0x1D800] =	vst v63  }
0x22: {  	_ =	swait.ge [sflag:s10], $0x4000  }
0x23: {  	s19 =	simm.s32 $0x400;
	s18 =	simm.s32 $0x200;
	[sflag:s10] =	ssyncset.done $0x0  }
.LBB2_2:
0x24: {  	s20 =	sshra.s32 s18, $0x2  }
0x25: {  	[sflag:s10] =	ssyncadd.s32 $0xFFFFC000;
	s18 =	smov.u32 s19;
	s21 =	sadd.s32 $0x200, s19  }
0x26: {  	[tilespmem:s15], [sflag:$0x1] =	stream.indirect.gather [hbm4b:s4+s14], $0x80, s20, s14, $0xb8;
	[tilespmem:$0x1D800] =	vst v63  }
0x27: {  	p0 =	sne.s32 s19, $0xA000;
	_ =	swait.ge [sflag:s16], $0x4000  }
.Ltmp0:
0x28: {  	[sflag:s16] =	ssyncset.done $0x0;
	(pc) =	sbr.rel @p0 .LBB2_2-.Ltmp0, $4  }
0x29: {  	s19 =	sadd.s32 $0x2C00, s20;
	[sflag:s16] =	ssyncadd.s32 $0xFFFFC000  }
0x2a: {  	[spmem:s2] =	stream.indirect.scatter.add.f32 [tilespmem:s15], [sflag:$0x2], $0x80, s19, s14, $0xb8;
	[tilespmem:$0x1D800] =	vst v63  }
0x2b: {  	_ =	swait.ge [sflag:s10], $0x4000  }
0x2c: {  	s19 =	smov.u32 s21;
	[sflag:s10] =	ssyncset.done $0x0  }
0x2d: {  	s18 =	sshra.s32 s18, $0x2;
	[sflag:s10] =	ssyncadd.s32 $0xFFFFC000  }
0x2e: {  	[tilespmem:s15], [sflag:$0x1] =	stream.indirect.gather [hbm4b:s4+s14], $0x80, s18, s14, $0xb8;
	[tilespmem:$0x1D800] =	vst v63  }
0x2f: {  	_ =	swait.ge [sflag:s16], $0x4000  }
0x30: {  	[sflag:s16] =	ssyncset.done $0x0  }
0x31: {  	s18 =	sadd.s32 $0x2C00, s18;
	[sflag:s16] =	ssyncadd.s32 $0xFFFFC000  }
0x32: {  	[spmem:s2] =	stream.indirect.scatter.add.f32 [tilespmem:s15], [sflag:$0x2], $0x80, s18, s14, $0xb8;
	[tilespmem:$0x1D800] =	vst v63  }
0x33: {  	_ =	swait.ge [sflag:s10], $0x4000  }
0x34: {  	s17 =	sadd.s32 $0x1, s17;
	[sflag:s10] =	ssyncset.done $0x0  }
0x35: {  	p0 =	sne.s32 s17, s9;
	[sflag:s10] =	ssyncadd.s32 $0xFFFFC000  }
.Ltmp1:
0x36: {  	[bflag:$0x0] =	sbarrier.arrive $0xFFFF;
	(pc) =	sbr.rel @p0 .LBB2_1-.Ltmp1, $4  }
0x37: {  	[hbm:s8], [sflag:s12] =	dma.local [spmem:s13], $0x2800  }
0x38: {  	_ =	swait.ge [sflag:s10], $0x2800  }
0x39: {  	[sflag:s10] =	ssyncset.done $0x0  }
0x3a: {  	[sflag:s10] =	ssyncadd.s32 $0xFFFFD800  }
0x3b: {  	_ =	sfence.sel $0x180000  }
0x3c: {  	[bflag:$0x0] =	sbarrier.arrive $0xFFFF  }
0x3d: {  	p0 =	sne.s32 s0, $0x0;
	_ =	strace $0x90000050  }
0x3e: {  	s0 =	sadd.s32 @!p0 $0x100000, s1;
	[bflag:$0x2] =	sbarrier.arrive $0xFFFF  }
0x3f: {  	[sflag:s0] =	ssyncadd.tile.s32 @!p0 $0x1;
	_ =	shalt  }
.Lfunc_end2:
_tile_overlayer_lowered:
.L_overlay_start_2:
0x40: {  	(tag) =	ssettag $0x2  }
0x41: {  	s0 =	rddreg [dreg:$0x0];
	s2 =	stileid.u32  }
0x42: {  	s1 =	rddreg [dreg:$0x1];
	p0 =	sne.s32 s2, $0x0  }
0x43: {  	s3 =	rddreg [dreg:$0x2];
	[bflag:$0x3] =	sbarrier.arrive $0xFFFF;
	s2 =	simm.s32 @!p0 $0x1C02  }
0x44: {  	[timem:s3], [sflag:s2] =	dma.local @!p0 [hbm:s0], s1  }
0x45: {  	s0 =	simm.s32 @!p0 $0x2  }
0x46: {  	_ =	swait.ge @!p0 [sflag:s0], s1  }
0x47: {  	s1 =	ssub.s32 @!p0 $0x0, s1;
	[sflag:s0] =	ssyncset.done @!p0 $0x0  }
0x48: {  	[sflag:s0] =	ssyncadd.s32 @!p0 s1  }
0x49: {  	[bflag:$0x3] =	sbarrier.arrive $0xFFFF  }
0x4a: {  	_ =	shalt  }

</sc_bundles>
